<compile_context>
chip_gen: v7x
topology: tpu7x:2x2x1
jax: 0.10.2.dev20260603
libtpu: 0.0.44.dev20260713+nightly
codegen_flags: <defaults>
</compile_context>

<pallas_src>
import functools

import jax
import jax.numpy as jnp
from jax import lax
from jax.experimental import pallas as pl
from jax.experimental.pallas import tpu as pltpu
from jax.experimental.pallas import tpu_sc as plsc

_INFO = plsc.get_sparse_core_info()
_NC = _INFO.num_cores
_NS = _INFO.num_subcores
_NW = _NC * _NS

_V, _D = 100000, 64
_B, _T = 4096, 50
_G = 128


def _make_gather():
    mesh = plsc.VectorSubcoreMesh(core_axis_name="c", subcore_axis_name="s")

    @functools.partial(
        pl.kernel,
        out_type=jax.ShapeDtypeStruct((_T, _D, _B), jnp.float32),
        mesh=mesh,
        scratch_types=[
            pltpu.VMEM((_T, _G), jnp.int32),
            pltpu.VMEM((_G, 2 * _D), jnp.float32),
            pltpu.VMEM((_G, 2 * _D), jnp.float32),
            pltpu.VMEM((_D, _G), jnp.float32),
            pltpu.VMEM((_D, _G), jnp.float32),
            pltpu.SemaphoreType.DMA,
            pltpu.SemaphoreType.DMA,
            pltpu.SemaphoreType.DMA,
            pltpu.SemaphoreType.DMA,
        ],
        compiler_params=pltpu.CompilerParams(
            use_tc_tiling_on_sc=True, needs_layout_passes=False),
    )
    def gather(xp_hbm, idxt_hbm, out_hbm, idx_v, ga, gb, ta, tb,
               gsa, gsb, ssa, ssb):
        wid = lax.axis_index("s") * _NC + lax.axis_index("c")
        bcol = wid * _G

        pltpu.sync_copy(idxt_hbm.at[:, pl.ds(bcol, _G)], idx_v)

        lanes = lax.iota(jnp.int32, 16)

        def fire_gather(t, buf, sem):
            pltpu.async_copy(xp_hbm.at[idx_v.at[t]], buf, sem)

        def wait_gather(buf, sem):
            pltpu.make_async_copy(xp_hbm.at[pl.ds(0, _G)], buf, sem).wait()

        def fire_store(t, buf, sem):
            pltpu.async_copy(buf, out_hbm.at[t, :, pl.ds(bcol, _G)], sem)

        def wait_store(buf, sem):
            pltpu.make_async_copy(out_hbm.at[0, :, pl.ds(0, _G)], buf,
                                  sem).wait()

        def transpose(gbuf, tbuf):
            rows = [lanes + c * 16 for c in range(_G // 16)]

            @plsc.parallel_loop(0, _D, unroll=4)
            def col(j):
                for c in range(_G // 16):
                    v = plsc.load_gather(gbuf, [rows[c], j + 0 * rows[c]])
                    tbuf[j, pl.ds(c * 16, 16)] = v

        fire_gather(0, ga, gsa)

        def step(k, carry):
            t0 = 2 * k
            wait_gather(ga, gsa)
            fire_gather(t0 + 1, gb, gsb)

            @pl.when(k > 0)
            def _():
                wait_store(ta, ssa)

            transpose(ga, ta)
            fire_store(t0, ta, ssa)

            wait_gather(gb, gsb)

            @pl.when(k < _T // 2 - 1)
            def _():
                fire_gather(t0 + 2, ga, gsa)

            @pl.when(k > 0)
            def _():
                wait_store(tb, ssb)

            transpose(gb, tb)
            fire_store(t0 + 1, tb, ssb)
            return carry

        lax.fori_loop(0, _T // 2, step, 0)
        wait_store(ta, ssa)
        wait_store(tb, ssb)

    return gather


_gather = _make_gather()


def kernel(x, dtw_y):
    xp = jnp.pad(x, ((0, 0), (0, _D)))
    o = _gather(xp, dtw_y.T)
    return jnp.transpose(o, (2, 0, 1))

# --- scband reference (transcript-rebuilt; emitter-appended) ---
"""Pipeline reference for scband-use-dtw-65635690217733 (READ-ONLY COPY).

The authoritative reference and input builder live on the scoring server;
editing this copy changes nothing except your own understanding.
"""

import jax, jax.numpy as jnp
import numpy as np


def setup_inputs(seed: int = 0) -> dict:
    key = jax.random.key(seed)
    k1, k2 = jax.random.split(key)
    x = jax.random.normal(k1, (100000, 64), dtype=jnp.float32)
    dtw_y = jax.random.randint(k2, (4096, 50), 0, 100000, dtype=jnp.int32)
    return {"x": x, "dtw_y": dtw_y}


def reference(x, dtw_y):
    # UseDTW.call: y = K.gather(x, dtw_y) -> gather rows of x along axis 0
    y = jnp.take(x, dtw_y, axis=0)
    return y

if __name__ == "__main__":
    import jax
    _d = setup_inputs()
    print(jax.jit(kernel)(*tuple(_d.values())))

</pallas_src>

<mosaic_0001>
#map = affine_map<(d0, d1) -> (0, 0)>
#map1 = affine_map<(d0, d1) -> (0, 0, 0)>
module attributes {stable_mosaic.version = 14 : i64} {
  func.func @gather(%arg0: i32, %arg1: i32, %arg2: memref<100000x128xf32, #tpu.memory_space<hbm>>, %arg3: memref<50x4096xi32, #tpu.memory_space<hbm>>, %arg4: memref<50x64x4096xf32, #tpu.memory_space<hbm>>, %arg5: memref<50x128xi32, #tpu.memory_space<vmem>>, %arg6: memref<128x128xf32, #tpu.memory_space<vmem>>, %arg7: memref<128x128xf32, #tpu.memory_space<vmem>>, %arg8: memref<64x128xf32, #tpu.memory_space<vmem>>, %arg9: memref<64x128xf32, #tpu.memory_space<vmem>>, %arg10: memref<!tpu.dma_semaphore, #tpu.memory_space<semaphore_mem>>, %arg11: memref<!tpu.dma_semaphore, #tpu.memory_space<semaphore_mem>>, %arg12: memref<!tpu.dma_semaphore, #tpu.memory_space<semaphore_mem>>, %arg13: memref<!tpu.dma_semaphore, #tpu.memory_space<semaphore_mem>>) attributes {dimension_semantics = [#tpu.dimension_semantics<core_parallel>, #tpu.dimension_semantics<subcore_parallel>], iteration_bounds = array<i64: 2, 16>, scalar_prefetch = 0 : i64, scratch_operands = 9 : i64, tpu.core_type = #tpu.core_type<sc_vector_subcore>, window_params = [{transform_indices = #map}, {transform_indices = #map}, {transform_indices = #map1}]} {
    %mul3A = arith.constant 2 : i32
    %mul3A_0 = arith.muli %arg1, %mul3A : i32
    %add3A = arith.addi %mul3A_0, %arg0 : i32
    %mul3A_1 = arith.constant 128 : i32
    %mul3A_2 = arith.muli %add3A, %mul3A_1 : i32
    "tpu.region"() ({
      %run_scoped3A = tpu.sem_alloc : memref<!tpu.dma_semaphore, #tpu.memory_space<semaphore_mem>>
      %dma_start3A_31 = arith.constant 0 : i32
      %dma_start3A_32 = tpu.memref_slice %arg3[%dma_start3A_31, %mul3A_2] : memref<50x4096xi32, #tpu.memory_space<hbm>> -> memref<50x128xi32, #tpu.memory_space<hbm>>
      %dma_start3A_33 = arith.constant 0 : i32
      %dma_start3A_34 = tpu.memref_slice %arg3[%dma_start3A_33, %mul3A_2] : memref<50x4096xi32, #tpu.memory_space<hbm>> -> memref<50x128xi32, #tpu.memory_space<hbm>>
      tpu.enqueue_dma source(%dma_start3A_34 : memref<50x128xi32, #tpu.memory_space<hbm>>) target(%arg5 : memref<50x128xi32, #tpu.memory_space<vmem>>) target_semaphore(%run_scoped3A : memref<!tpu.dma_semaphore, #tpu.memory_space<semaphore_mem>>)
      %dma_wait3A_35 = arith.constant 0 : i32
      %dma_wait3A_36 = tpu.memref_slice %arg3[%dma_wait3A_35, %mul3A_2] : memref<50x4096xi32, #tpu.memory_space<hbm>> -> memref<50x128xi32, #tpu.memory_space<hbm>>
      %dma_wait3A_37 = arith.constant 0 : i32
      %dma_wait3A_38 = tpu.memref_slice %arg3[%dma_wait3A_37, %mul3A_2] : memref<50x4096xi32, #tpu.memory_space<hbm>> -> memref<50x128xi32, #tpu.memory_space<hbm>>
      tpu.wait_dma2 semaphore(%run_scoped3A : memref<!tpu.dma_semaphore, #tpu.memory_space<semaphore_mem>>) src(%dma_wait3A_38 : memref<50x128xi32, #tpu.memory_space<hbm>>) dst(%arg5 : memref<50x128xi32, #tpu.memory_space<vmem>>)
      tpu.yield
    }) : () -> ()
    %iota3A = tpu.iota {dimensions = array<i32: 0>} : vector<16xi32>
    %dma_start3A = arith.constant 0 : i32
    %dma_start3A_3 = arith.constant 0 : i32
    %dma_start3A_4 = tpu.memref_slice %arg5[%dma_start3A, %dma_start3A_3] : memref<50x128xi32, #tpu.memory_space<vmem>> -> memref<1x128xi32, #tpu.memory_space<vmem>>
    %dma_start3A_5 = tpu.memref_squeeze %dma_start3A_4 : memref<1x128xi32, #tpu.memory_space<vmem>> -> memref<128xi32, #tpu.memory_space<vmem>>
    %dma_start3A_6 = arith.constant 0 : i32
    %dma_start3A_7 = arith.constant 0 : i32
    %dma_start3A_8 = tpu.memref_slice %arg2[%dma_start3A_6, %dma_start3A_7] : memref<100000x128xf32, #tpu.memory_space<hbm>> -> memref<100000x128xf32, #tpu.memory_space<hbm>>
    tpu.enqueue_indirect_dma source(%dma_start3A_8 : memref<100000x128xf32, #tpu.memory_space<hbm>>) target(%arg6 : memref<128x128xf32, #tpu.memory_space<vmem>>) offsets(%dma_start3A_5 : memref<128xi32, #tpu.memory_space<vmem>>) semaphore(%arg10 : memref<!tpu.dma_semaphore, #tpu.memory_space<semaphore_mem>>)
    %scan3A = arith.constant 0 : i32
    %scan3A_9 = arith.constant 0 : i32
    %scan3A_10 = arith.constant 25 : i32
    %scan3A_11 = arith.addi %scan3A_9, %scan3A_10 : i32
    %scan3A_12 = arith.constant 1 : i32
    scf.for %scan3A_31 = %scan3A_9 to %scan3A_11 step %scan3A_12  : i32 {
      %mul3A_32 = arith.constant 2 : i32
      %mul3A_33 = arith.muli %mul3A_32, %scan3A_31 : i32
      %dma_wait3A_34 = arith.constant 0 : i32
      %dma_wait3A_35 = arith.constant 0 : i32
      %dma_wait3A_36 = tpu.memref_slice %arg2[%dma_wait3A_34, %dma_wait3A_35] : memref<100000x128xf32, #tpu.memory_space<hbm>> -> memref<128x128xf32, #tpu.memory_space<hbm>>
      %dma_wait3A_37 = arith.constant 0 : i32
      %dma_wait3A_38 = arith.constant 0 : i32
      %dma_wait3A_39 = tpu.memref_slice %arg2[%dma_wait3A_37, %dma_wait3A_38] : memref<100000x128xf32, #tpu.memory_space<hbm>> -> memref<128x128xf32, #tpu.memory_space<hbm>>
      tpu.wait_dma2 semaphore(%arg10 : memref<!tpu.dma_semaphore, #tpu.memory_space<semaphore_mem>>) src(%dma_wait3A_39 : memref<128x128xf32, #tpu.memory_space<hbm>>) dst(%arg6 : memref<128x128xf32, #tpu.memory_space<vmem>>)
      %add3A_40 = arith.constant 1 : i32
      %add3A_41 = arith.addi %mul3A_33, %add3A_40 : i32
      %dma_start3A_42 = arith.constant 0 : i32
      %dma_start3A_43 = tpu.memref_slice %arg5[%add3A_41, %dma_start3A_42] : memref<50x128xi32, #tpu.memory_space<vmem>> -> memref<1x128xi32, #tpu.memory_space<vmem>>
      %dma_start3A_44 = tpu.memref_squeeze %dma_start3A_43 : memref<1x128xi32, #tpu.memory_space<vmem>> -> memref<128xi32, #tpu.memory_space<vmem>>
      %dma_start3A_45 = arith.constant 0 : i32
      %dma_start3A_46 = arith.constant 0 : i32
      %dma_start3A_47 = tpu.memref_slice %arg2[%dma_start3A_45, %dma_start3A_46] : memref<100000x128xf32, #tpu.memory_space<hbm>> -> memref<100000x128xf32, #tpu.memory_space<hbm>>
      tpu.enqueue_indirect_dma source(%dma_start3A_47 : memref<100000x128xf32, #tpu.memory_space<hbm>>) target(%arg7 : memref<128x128xf32, #tpu.memory_space<vmem>>) offsets(%dma_start3A_44 : memref<128xi32, #tpu.memory_space<vmem>>) semaphore(%arg11 : memref<!tpu.dma_semaphore, #tpu.memory_space<semaphore_mem>>)
      %gt3A = arith.constant 0 : i32
      %gt3A_48 = arith.cmpi sgt, %scan3A_31, %gt3A : i32
      %convert_element_type3A = arith.extui %gt3A_48 : i1 to i32
      %cond3A = arith.constant 0 : i32
      %cond3A_49 = arith.cmpi ne, %convert_element_type3A, %cond3A : i32
      scf.if %cond3A_49 {
        %dma_wait3A_132 = arith.constant 0 : i32
        %dma_wait3A_133 = arith.constant 0 : i32
        %dma_wait3A_134 = arith.constant 0 : i32
        %dma_wait3A_135 = tpu.memref_slice %arg4[%dma_wait3A_132, %dma_wait3A_133, %dma_wait3A_134] : memref<50x64x4096xf32, #tpu.memory_space<hbm>> -> memref<1x64x128xf32, #tpu.memory_space<hbm>>
        %dma_wait3A_136 = tpu.memref_squeeze %dma_wait3A_135 : memref<1x64x128xf32, #tpu.memory_space<hbm>> -> memref<64x128xf32, #tpu.memory_space<hbm>>
        %dma_wait3A_137 = arith.constant 0 : i32
        %dma_wait3A_138 = arith.constant 0 : i32
        %dma_wait3A_139 = tpu.memref_slice %arg4[%dma_wait3A_132, %dma_wait3A_137, %dma_wait3A_138] : memref<50x64x4096xf32, #tpu.memory_space<hbm>> -> memref<1x64x128xf32, #tpu.memory_space<hbm>>
        %dma_wait3A_140 = tpu.memref_squeeze %dma_wait3A_139 : memref<1x64x128xf32, #tpu.memory_space<hbm>> -> memref<64x128xf32, #tpu.memory_space<hbm>>
        tpu.wait_dma2 semaphore(%arg12 : memref<!tpu.dma_semaphore, #tpu.memory_space<semaphore_mem>>) src(%dma_wait3A_140 : memref<64x128xf32, #tpu.memory_space<hbm>>) dst(%arg8 : memref<64x128xf32, #tpu.memory_space<vmem>>)
      } else {
      }
      %add3A_50 = arith.constant 0 : i32
      %add3A_51 = vector.broadcast %add3A_50 : i32 to vector<16xi32>
      %add3A_52 = arith.addi %iota3A, %add3A_51 : vector<16xi32>
      %add3A_53 = arith.constant 16 : i32
      %add3A_54 = vector.broadcast %add3A_53 : i32 to vector<16xi32>
      %add3A_55 = arith.addi %iota3A, %add3A_54 : vector<16xi32>
      %add3A_56 = arith.constant 32 : i32
      %add3A_57 = vector.broadcast %add3A_56 : i32 to vector<16xi32>
      %add3A_58 = arith.addi %iota3A, %add3A_57 : vector<16xi32>
      %add3A_59 = arith.constant 48 : i32
      %add3A_60 = vector.broadcast %add3A_59 : i32 to vector<16xi32>
      %add3A_61 = arith.addi %iota3A, %add3A_60 : vector<16xi32>
      %add3A_62 = arith.constant 64 : i32
      %add3A_63 = vector.broadcast %add3A_62 : i32 to vector<16xi32>
      %add3A_64 = arith.addi %iota3A, %add3A_63 : vector<16xi32>
      %add3A_65 = arith.constant 80 : i32
      %add3A_66 = vector.broadcast %add3A_65 : i32 to vector<16xi32>
      %add3A_67 = arith.addi %iota3A, %add3A_66 : vector<16xi32>
      %add3A_68 = arith.constant 96 : i32
      %add3A_69 = vector.broadcast %add3A_68 : i32 to vector<16xi32>
      %add3A_70 = arith.addi %iota3A, %add3A_69 : vector<16xi32>
      %add3A_71 = arith.constant 112 : i32
      %add3A_72 = vector.broadcast %add3A_71 : i32 to vector<16xi32>
      %add3A_73 = arith.addi %iota3A, %add3A_72 : vector<16xi32>
      %parallel_loop3A = arith.constant 0 : i32
      %parallel_loop3A_74 = arith.constant 64 : i32
      %parallel_loop3A_75 = arith.constant 1 : i32
      scf.for %parallel_loop3A_132 = %parallel_loop3A to %parallel_loop3A_74 step %parallel_loop3A_75  : i32 {
        %parallel_loop3A_133 = arith.constant 0 : i32
        %parallel_loop3A_134 = vector.broadcast %parallel_loop3A_133 : i32 to vector<16xi32>
        %parallel_loop3A_135 = arith.muli %parallel_loop3A_134, %add3A_52 : vector<16xi32>
        %parallel_loop3A_136 = vector.broadcast %parallel_loop3A_132 : i32 to vector<16xi32>
        %parallel_loop3A_137 = arith.addi %parallel_loop3A_136, %parallel_loop3A_135 : vector<16xi32>
        %parallel_loop3A_138 = tpu.vector_load_idx %arg6[%add3A_52, %parallel_loop3A_137] : memref<128x128xf32, #tpu.memory_space<vmem>>[vector<16xi32>, vector<16xi32>], vector<16xf32>,
        %parallel_loop3A_139 = arith.index_cast %parallel_loop3A_132 : i32 to index
        %parallel_loop3A_140 = arith.constant 0 : index
        %parallel_loop3A_141 = tpu.vector_load %arg8[%parallel_loop3A_139, %parallel_loop3A_140] {strides = array<i32>} : memref<64x128xf32, #tpu.memory_space<vmem>>, vector<16xf32>,
        tpu.vector_store %arg8[%parallel_loop3A_139, %parallel_loop3A_140], %parallel_loop3A_138 {strides = array<i32>} : memref<64x128xf32, #tpu.memory_space<vmem>>, vector<16xf32>,
        %parallel_loop3A_142 = arith.constant 0 : i32
        %parallel_loop3A_143 = vector.broadcast %parallel_loop3A_142 : i32 to vector<16xi32>
        %parallel_loop3A_144 = arith.muli %parallel_loop3A_143, %add3A_55 : vector<16xi32>
        %parallel_loop3A_145 = vector.broadcast %parallel_loop3A_132 : i32 to vector<16xi32>
        %parallel_loop3A_146 = arith.addi %parallel_loop3A_145, %parallel_loop3A_144 : vector<16xi32>
        %parallel_loop3A_147 = tpu.vector_load_idx %arg6[%add3A_55, %parallel_loop3A_146] : memref<128x128xf32, #tpu.memory_space<vmem>>[vector<16xi32>, vector<16xi32>], vector<16xf32>,
        %parallel_loop3A_148 = arith.index_cast %parallel_loop3A_132 : i32 to index
        %parallel_loop3A_149 = arith.constant 16 : index
        %parallel_loop3A_150 = tpu.vector_load %arg8[%parallel_loop3A_148, %parallel_loop3A_149] {strides = array<i32>} : memref<64x128xf32, #tpu.memory_space<vmem>>, vector<16xf32>,
        tpu.vector_store %arg8[%parallel_loop3A_148, %parallel_loop3A_149], %parallel_loop3A_147 {strides = array<i32>} : memref<64x128xf32, #tpu.memory_space<vmem>>, vector<16xf32>,
        %parallel_loop3A_151 = arith.constant 0 : i32
        %parallel_loop3A_152 = vector.broadcast %parallel_loop3A_151 : i32 to vector<16xi32>
        %parallel_loop3A_153 = arith.muli %parallel_loop3A_152, %add3A_58 : vector<16xi32>
        %parallel_loop3A_154 = vector.broadcast %parallel_loop3A_132 : i32 to vector<16xi32>
        %parallel_loop3A_155 = arith.addi %parallel_loop3A_154, %parallel_loop3A_153 : vector<16xi32>
        %parallel_loop3A_156 = tpu.vector_load_idx %arg6[%add3A_58, %parallel_loop3A_155] : memref<128x128xf32, #tpu.memory_space<vmem>>[vector<16xi32>, vector<16xi32>], vector<16xf32>,
        %parallel_loop3A_157 = arith.index_cast %parallel_loop3A_132 : i32 to index
        %parallel_loop3A_158 = arith.constant 32 : index
        %parallel_loop3A_159 = tpu.vector_load %arg8[%parallel_loop3A_157, %parallel_loop3A_158] {strides = array<i32>} : memref<64x128xf32, #tpu.memory_space<vmem>>, vector<16xf32>,
        tpu.vector_store %arg8[%parallel_loop3A_157, %parallel_loop3A_158], %parallel_loop3A_156 {strides = array<i32>} : memref<64x128xf32, #tpu.memory_space<vmem>>, vector<16xf32>,
        %parallel_loop3A_160 = arith.constant 0 : i32
        %parallel_loop3A_161 = vector.broadcast %parallel_loop3A_160 : i32 to vector<16xi32>
        %parallel_loop3A_162 = arith.muli %parallel_loop3A_161, %add3A_61 : vector<16xi32>
        %parallel_loop3A_163 = vector.broadcast %parallel_loop3A_132 : i32 to vector<16xi32>
        %parallel_loop3A_164 = arith.addi %parallel_loop3A_163, %parallel_loop3A_162 : vector<16xi32>
        %parallel_loop3A_165 = tpu.vector_load_idx %arg6[%add3A_61, %parallel_loop3A_164] : memref<128x128xf32, #tpu.memory_space<vmem>>[vector<16xi32>, vector<16xi32>], vector<16xf32>,
        %parallel_loop3A_166 = arith.index_cast %parallel_loop3A_132 : i32 to index
        %parallel_loop3A_167 = arith.constant 48 : index
        %parallel_loop3A_168 = tpu.vector_load %arg8[%parallel_loop3A_166, %parallel_loop3A_167] {strides = array<i32>} : memref<64x128xf32, #tpu.memory_space<vmem>>, vector<16xf32>,
        tpu.vector_store %arg8[%parallel_loop3A_166, %parallel_loop3A_167], %parallel_loop3A_165 {strides = array<i32>} : memref<64x128xf32, #tpu.memory_space<vmem>>, vector<16xf32>,
        %parallel_loop3A_169 = arith.constant 0 : i32
        %parallel_loop3A_170 = vector.broadcast %parallel_loop3A_169 : i32 to vector<16xi32>
        %parallel_loop3A_171 = arith.muli %parallel_loop3A_170, %add3A_64 : vector<16xi32>
        %parallel_loop3A_172 = vector.broadcast %parallel_loop3A_132 : i32 to vector<16xi32>
        %parallel_loop3A_173 = arith.addi %parallel_loop3A_172, %parallel_loop3A_171 : vector<16xi32>
        %parallel_loop3A_174 = tpu.vector_load_idx %arg6[%add3A_64, %parallel_loop3A_173] : memref<128x128xf32, #tpu.memory_space<vmem>>[vector<16xi32>, vector<16xi32>], vector<16xf32>,
        %parallel_loop3A_175 = arith.index_cast %parallel_loop3A_132 : i32 to index
        %parallel_loop3A_176 = arith.constant 64 : index
        %parallel_loop3A_177 = tpu.vector_load %arg8[%parallel_loop3A_175, %parallel_loop3A_176] {strides = array<i32>} : memref<64x128xf32, #tpu.memory_space<vmem>>, vector<16xf32>,
        tpu.vector_store %arg8[%parallel_loop3A_175, %parallel_loop3A_176], %parallel_loop3A_174 {strides = array<i32>} : memref<64x128xf32, #tpu.memory_space<vmem>>, vector<16xf32>,
        %parallel_loop3A_178 = arith.constant 0 : i32
        %parallel_loop3A_179 = vector.broadcast %parallel_loop3A_178 : i32 to vector<16xi32>
        %parallel_loop3A_180 = arith.muli %parallel_loop3A_179, %add3A_67 : vector<16xi32>
        %parallel_loop3A_181 = vector.broadcast %parallel_loop3A_132 : i32 to vector<16xi32>
        %parallel_loop3A_182 = arith.addi %parallel_loop3A_181, %parallel_loop3A_180 : vector<16xi32>
        %parallel_loop3A_183 = tpu.vector_load_idx %arg6[%add3A_67, %parallel_loop3A_182] : memref<128x128xf32, #tpu.memory_space<vmem>>[vector<16xi32>, vector<16xi32>], vector<16xf32>,
        %parallel_loop3A_184 = arith.index_cast %parallel_loop3A_132 : i32 to index
        %parallel_loop3A_185 = arith.constant 80 : index
        %parallel_loop3A_186 = tpu.vector_load %arg8[%parallel_loop3A_184, %parallel_loop3A_185] {strides = array<i32>} : memref<64x128xf32, #tpu.memory_space<vmem>>, vector<16xf32>,
        tpu.vector_store %arg8[%parallel_loop3A_184, %parallel_loop3A_185], %parallel_loop3A_183 {strides = array<i32>} : memref<64x128xf32, #tpu.memory_space<vmem>>, vector<16xf32>,
        %parallel_loop3A_187 = arith.constant 0 : i32
        %parallel_loop3A_188 = vector.broadcast %parallel_loop3A_187 : i32 to vector<16xi32>
        %parallel_loop3A_189 = arith.muli %parallel_loop3A_188, %add3A_70 : vector<16xi32>
        %parallel_loop3A_190 = vector.broadcast %parallel_loop3A_132 : i32 to vector<16xi32>
        %parallel_loop3A_191 = arith.addi %parallel_loop3A_190, %parallel_loop3A_189 : vector<16xi32>
        %parallel_loop3A_192 = tpu.vector_load_idx %arg6[%add3A_70, %parallel_loop3A_191] : memref<128x128xf32, #tpu.memory_space<vmem>>[vector<16xi32>, vector<16xi32>], vector<16xf32>,
        %parallel_loop3A_193 = arith.index_cast %parallel_loop3A_132 : i32 to index
        %parallel_loop3A_194 = arith.constant 96 : index
        %parallel_loop3A_195 = tpu.vector_load %arg8[%parallel_loop3A_193, %parallel_loop3A_194] {strides = array<i32>} : memref<64x128xf32, #tpu.memory_space<vmem>>, vector<16xf32>,
        tpu.vector_store %arg8[%parallel_loop3A_193, %parallel_loop3A_194], %parallel_loop3A_192 {strides = array<i32>} : memref<64x128xf32, #tpu.memory_space<vmem>>, vector<16xf32>,
        %parallel_loop3A_196 = arith.constant 0 : i32
        %parallel_loop3A_197 = vector.broadcast %parallel_loop3A_196 : i32 to vector<16xi32>
        %parallel_loop3A_198 = arith.muli %parallel_loop3A_197, %add3A_73 : vector<16xi32>
        %parallel_loop3A_199 = vector.broadcast %parallel_loop3A_132 : i32 to vector<16xi32>
        %parallel_loop3A_200 = arith.addi %parallel_loop3A_199, %parallel_loop3A_198 : vector<16xi32>
        %parallel_loop3A_201 = tpu.vector_load_idx %arg6[%add3A_73, %parallel_loop3A_200] : memref<128x128xf32, #tpu.memory_space<vmem>>[vector<16xi32>, vector<16xi32>], vector<16xf32>,
        %parallel_loop3A_202 = arith.index_cast %parallel_loop3A_132 : i32 to index
        %parallel_loop3A_203 = arith.constant 112 : index
        %parallel_loop3A_204 = tpu.vector_load %arg8[%parallel_loop3A_202, %parallel_loop3A_203] {strides = array<i32>} : memref<64x128xf32, #tpu.memory_space<vmem>>, vector<16xf32>,
        tpu.vector_store %arg8[%parallel_loop3A_202, %parallel_loop3A_203], %parallel_loop3A_201 {strides = array<i32>} : memref<64x128xf32, #tpu.memory_space<vmem>>, vector<16xf32>,
      } {sc.loop_unroll_factor = 4 : i64, sc.parallel_access}
      %dma_start3A_76 = arith.constant 0 : i32
      %dma_start3A_77 = tpu.memref_slice %arg4[%mul3A_33, %dma_start3A_76, %mul3A_2] : memref<50x64x4096xf32, #tpu.memory_space<hbm>> -> memref<1x64x128xf32, #tpu.memory_space<hbm>>
      %dma_start3A_78 = tpu.memref_squeeze %dma_start3A_77 : memref<1x64x128xf32, #tpu.memory_space<hbm>> -> memref<64x128xf32, #tpu.memory_space<hbm>>
      %dma_start3A_79 = arith.constant 0 : i32
      %dma_start3A_80 = tpu.memref_slice %arg4[%mul3A_33, %dma_start3A_79, %mul3A_2] : memref<50x64x4096xf32, #tpu.memory_space<hbm>> -> memref<1x64x128xf32, #tpu.memory_space<hbm>>
      %dma_start3A_81 = tpu.memref_squeeze %dma_start3A_80 : memref<1x64x128xf32, #tpu.memory_space<hbm>> -> memref<64x128xf32, #tpu.memory_space<hbm>>
      tpu.enqueue_dma source(%arg8 : memref<64x128xf32, #tpu.memory_space<vmem>>) target(%dma_start3A_81 : memref<64x128xf32, #tpu.memory_space<hbm>>) target_semaphore(%arg12 : memref<!tpu.dma_semaphore, #tpu.memory_space<semaphore_mem>>)
      %dma_wait3A_82 = arith.constant 0 : i32
      %dma_wait3A_83 = arith.constant 0 : i32
      %dma_wait3A_84 = tpu.memref_slice %arg2[%dma_wait3A_82, %dma_wait3A_83] : memref<100000x128xf32, #tpu.memory_space<hbm>> -> memref<128x128xf32, #tpu.memory_space<hbm>>
      %dma_wait3A_85 = arith.constant 0 : i32
      %dma_wait3A_86 = arith.constant 0 : i32
      %dma_wait3A_87 = tpu.memref_slice %arg2[%dma_wait3A_85, %dma_wait3A_86] : memref<100000x128xf32, #tpu.memory_space<hbm>> -> memref<128x128xf32, #tpu.memory_space<hbm>>
      tpu.wait_dma2 semaphore(%arg11 : memref<!tpu.dma_semaphore, #tpu.memory_space<semaphore_mem>>) src(%dma_wait3A_87 : memref<128x128xf32, #tpu.memory_space<hbm>>) dst(%arg7 : memref<128x128xf32, #tpu.memory_space<vmem>>)
      %lt3A = arith.constant 24 : i32
      %lt3A_88 = arith.cmpi slt, %scan3A_31, %lt3A : i32
      %convert_element_type3A_89 = arith.extui %lt3A_88 : i1 to i32
      %cond3A_90 = arith.constant 0 : i32
      %cond3A_91 = arith.cmpi ne, %convert_element_type3A_89, %cond3A_90 : i32
      scf.if %cond3A_91 {
        %add3A_132 = arith.constant 2 : i32
        %add3A_133 = arith.addi %mul3A_33, %add3A_132 : i32
        %dma_start3A_134 = arith.constant 0 : i32
        %dma_start3A_135 = tpu.memref_slice %arg5[%add3A_133, %dma_start3A_134] : memref<50x128xi32, #tpu.memory_space<vmem>> -> memref<1x128xi32, #tpu.memory_space<vmem>>
        %dma_start3A_136 = tpu.memref_squeeze %dma_start3A_135 : memref<1x128xi32, #tpu.memory_space<vmem>> -> memref<128xi32, #tpu.memory_space<vmem>>
        %dma_start3A_137 = arith.constant 0 : i32
        %dma_start3A_138 = arith.constant 0 : i32
        %dma_start3A_139 = tpu.memref_slice %arg2[%dma_start3A_137, %dma_start3A_138] : memref<100000x128xf32, #tpu.memory_space<hbm>> -> memref<100000x128xf32, #tpu.memory_space<hbm>>
        tpu.enqueue_indirect_dma source(%dma_start3A_139 : memref<100000x128xf32, #tpu.memory_space<hbm>>) target(%arg6 : memref<128x128xf32, #tpu.memory_space<vmem>>) offsets(%dma_start3A_136 : memref<128xi32, #tpu.memory_space<vmem>>) semaphore(%arg10 : memref<!tpu.dma_semaphore, #tpu.memory_space<semaphore_mem>>)
      } else {
      }
      %gt3A_92 = arith.constant 0 : i32
      %gt3A_93 = arith.cmpi sgt, %scan3A_31, %gt3A_92 : i32
      %convert_element_type3A_94 = arith.extui %gt3A_93 : i1 to i32
      %cond3A_95 = arith.constant 0 : i32
      %cond3A_96 = arith.cmpi ne, %convert_element_type3A_94, %cond3A_95 : i32
      scf.if %cond3A_96 {
        %dma_wait3A_132 = arith.constant 0 : i32
        %dma_wait3A_133 = arith.constant 0 : i32
        %dma_wait3A_134 = arith.constant 0 : i32
        %dma_wait3A_135 = tpu.memref_slice %arg4[%dma_wait3A_132, %dma_wait3A_133, %dma_wait3A_134] : memref<50x64x4096xf32, #tpu.memory_space<hbm>> -> memref<1x64x128xf32, #tpu.memory_space<hbm>>
        %dma_wait3A_136 = tpu.memref_squeeze %dma_wait3A_135 : memref<1x64x128xf32, #tpu.memory_space<hbm>> -> memref<64x128xf32, #tpu.memory_space<hbm>>
        %dma_wait3A_137 = arith.constant 0 : i32
        %dma_wait3A_138 = arith.constant 0 : i32
        %dma_wait3A_139 = tpu.memref_slice %arg4[%dma_wait3A_132, %dma_wait3A_137, %dma_wait3A_138] : memref<50x64x4096xf32, #tpu.memory_space<hbm>> -> memref<1x64x128xf32, #tpu.memory_space<hbm>>
        %dma_wait3A_140 = tpu.memref_squeeze %dma_wait3A_139 : memref<1x64x128xf32, #tpu.memory_space<hbm>> -> memref<64x128xf32, #tpu.memory_space<hbm>>
        tpu.wait_dma2 semaphore(%arg13 : memref<!tpu.dma_semaphore, #tpu.memory_space<semaphore_mem>>) src(%dma_wait3A_140 : memref<64x128xf32, #tpu.memory_space<hbm>>) dst(%arg9 : memref<64x128xf32, #tpu.memory_space<vmem>>)
      } else {
      }
      %add3A_97 = arith.constant 0 : i32
      %add3A_98 = vector.broadcast %add3A_97 : i32 to vector<16xi32>
      %add3A_99 = arith.addi %iota3A, %add3A_98 : vector<16xi32>
      %add3A_100 = arith.constant 16 : i32
      %add3A_101 = vector.broadcast %add3A_100 : i32 to vector<16xi32>
      %add3A_102 = arith.addi %iota3A, %add3A_101 : vector<16xi32>
      %add3A_103 = arith.constant 32 : i32
      %add3A_104 = vector.broadcast %add3A_103 : i32 to vector<16xi32>
      %add3A_105 = arith.addi %iota3A, %add3A_104 : vector<16xi32>
      %add3A_106 = arith.constant 48 : i32
      %add3A_107 = vector.broadcast %add3A_106 : i32 to vector<16xi32>
      %add3A_108 = arith.addi %iota3A, %add3A_107 : vector<16xi32>
      %add3A_109 = arith.constant 64 : i32
      %add3A_110 = vector.broadcast %add3A_109 : i32 to vector<16xi32>
      %add3A_111 = arith.addi %iota3A, %add3A_110 : vector<16xi32>
      %add3A_112 = arith.constant 80 : i32
      %add3A_113 = vector.broadcast %add3A_112 : i32 to vector<16xi32>
      %add3A_114 = arith.addi %iota3A, %add3A_113 : vector<16xi32>
      %add3A_115 = arith.constant 96 : i32
      %add3A_116 = vector.broadcast %add3A_115 : i32 to vector<16xi32>
      %add3A_117 = arith.addi %iota3A, %add3A_116 : vector<16xi32>
      %add3A_118 = arith.constant 112 : i32
      %add3A_119 = vector.broadcast %add3A_118 : i32 to vector<16xi32>
      %add3A_120 = arith.addi %iota3A, %add3A_119 : vector<16xi32>
      %parallel_loop3A_121 = arith.constant 0 : i32
      %parallel_loop3A_122 = arith.constant 64 : i32
      %parallel_loop3A_123 = arith.constant 1 : i32
      scf.for %parallel_loop3A_132 = %parallel_loop3A_121 to %parallel_loop3A_122 step %parallel_loop3A_123  : i32 {
        %parallel_loop3A_133 = arith.constant 0 : i32
        %parallel_loop3A_134 = vector.broadcast %parallel_loop3A_133 : i32 to vector<16xi32>
        %parallel_loop3A_135 = arith.muli %parallel_loop3A_134, %add3A_99 : vector<16xi32>
        %parallel_loop3A_136 = vector.broadcast %parallel_loop3A_132 : i32 to vector<16xi32>
        %parallel_loop3A_137 = arith.addi %parallel_loop3A_136, %parallel_loop3A_135 : vector<16xi32>
        %parallel_loop3A_138 = tpu.vector_load_idx %arg7[%add3A_99, %parallel_loop3A_137] : memref<128x128xf32, #tpu.memory_space<vmem>>[vector<16xi32>, vector<16xi32>], vector<16xf32>,
        %parallel_loop3A_139 = arith.index_cast %parallel_loop3A_132 : i32 to index
        %parallel_loop3A_140 = arith.constant 0 : index
        %parallel_loop3A_141 = tpu.vector_load %arg9[%parallel_loop3A_139, %parallel_loop3A_140] {strides = array<i32>} : memref<64x128xf32, #tpu.memory_space<vmem>>, vector<16xf32>,
        tpu.vector_store %arg9[%parallel_loop3A_139, %parallel_loop3A_140], %parallel_loop3A_138 {strides = array<i32>} : memref<64x128xf32, #tpu.memory_space<vmem>>, vector<16xf32>,
        %parallel_loop3A_142 = arith.constant 0 : i32
        %parallel_loop3A_143 = vector.broadcast %parallel_loop3A_142 : i32 to vector<16xi32>
        %parallel_loop3A_144 = arith.muli %parallel_loop3A_143, %add3A_102 : vector<16xi32>
        %parallel_loop3A_145 = vector.broadcast %parallel_loop3A_132 : i32 to vector<16xi32>
        %parallel_loop3A_146 = arith.addi %parallel_loop3A_145, %parallel_loop3A_144 : vector<16xi32>
        %parallel_loop3A_147 = tpu.vector_load_idx %arg7[%add3A_102, %parallel_loop3A_146] : memref<128x128xf32, #tpu.memory_space<vmem>>[vector<16xi32>, vector<16xi32>], vector<16xf32>,
        %parallel_loop3A_148 = arith.index_cast %parallel_loop3A_132 : i32 to index
        %parallel_loop3A_149 = arith.constant 16 : index
        %parallel_loop3A_150 = tpu.vector_load %arg9[%parallel_loop3A_148, %parallel_loop3A_149] {strides = array<i32>} : memref<64x128xf32, #tpu.memory_space<vmem>>, vector<16xf32>,
        tpu.vector_store %arg9[%parallel_loop3A_148, %parallel_loop3A_149], %parallel_loop3A_147 {strides = array<i32>} : memref<64x128xf32, #tpu.memory_space<vmem>>, vector<16xf32>,
        %parallel_loop3A_151 = arith.constant 0 : i32
        %parallel_loop3A_152 = vector.broadcast %parallel_loop3A_151 : i32 to vector<16xi32>
        %parallel_loop3A_153 = arith.muli %parallel_loop3A_152, %add3A_105 : vector<16xi32>
        %parallel_loop3A_154 = vector.broadcast %parallel_loop3A_132 : i32 to vector<16xi32>
        %parallel_loop3A_155 = arith.addi %parallel_loop3A_154, %parallel_loop3A_153 : vector<16xi32>
        %parallel_loop3A_156 = tpu.vector_load_idx %arg7[%add3A_105, %parallel_loop3A_155] : memref<128x128xf32, #tpu.memory_space<vmem>>[vector<16xi32>, vector<16xi32>], vector<16xf32>,
        %parallel_loop3A_157 = arith.index_cast %parallel_loop3A_132 : i32 to index
        %parallel_loop3A_158 = arith.constant 32 : index
        %parallel_loop3A_159 = tpu.vector_load %arg9[%parallel_loop3A_157, %parallel_loop3A_158] {strides = array<i32>} : memref<64x128xf32, #tpu.memory_space<vmem>>, vector<16xf32>,
        tpu.vector_store %arg9[%parallel_loop3A_157, %parallel_loop3A_158], %parallel_loop3A_156 {strides = array<i32>} : memref<64x128xf32, #tpu.memory_space<vmem>>, vector<16xf32>,
        %parallel_loop3A_160 = arith.constant 0 : i32
        %parallel_loop3A_161 = vector.broadcast %parallel_loop3A_160 : i32 to vector<16xi32>
        %parallel_loop3A_162 = arith.muli %parallel_loop3A_161, %add3A_108 : vector<16xi32>
        %parallel_loop3A_163 = vector.broadcast %parallel_loop3A_132 : i32 to vector<16xi32>
        %parallel_loop3A_164 = arith.addi %parallel_loop3A_163, %parallel_loop3A_162 : vector<16xi32>
        %parallel_loop3A_165 = tpu.vector_load_idx %arg7[%add3A_108, %parallel_loop3A_164] : memref<128x128xf32, #tpu.memory_space<vmem>>[vector<16xi32>, vector<16xi32>], vector<16xf32>,
        %parallel_loop3A_166 = arith.index_cast %parallel_loop3A_132 : i32 to index
        %parallel_loop3A_167 = arith.constant 48 : index
        %parallel_loop3A_168 = tpu.vector_load %arg9[%parallel_loop3A_166, %parallel_loop3A_167] {strides = array<i32>} : memref<64x128xf32, #tpu.memory_space<vmem>>, vector<16xf32>,
        tpu.vector_store %arg9[%parallel_loop3A_166, %parallel_loop3A_167], %parallel_loop3A_165 {strides = array<i32>} : memref<64x128xf32, #tpu.memory_space<vmem>>, vector<16xf32>,
        %parallel_loop3A_169 = arith.constant 0 : i32
        %parallel_loop3A_170 = vector.broadcast %parallel_loop3A_169 : i32 to vector<16xi32>
        %parallel_loop3A_171 = arith.muli %parallel_loop3A_170, %add3A_111 : vector<16xi32>
        %parallel_loop3A_172 = vector.broadcast %parallel_loop3A_132 : i32 to vector<16xi32>
        %parallel_loop3A_173 = arith.addi %parallel_loop3A_172, %parallel_loop3A_171 : vector<16xi32>
        %parallel_loop3A_174 = tpu.vector_load_idx %arg7[%add3A_111, %parallel_loop3A_173] : memref<128x128xf32, #tpu.memory_space<vmem>>[vector<16xi32>, vector<16xi32>], vector<16xf32>,
        %parallel_loop3A_175 = arith.index_cast %parallel_loop3A_132 : i32 to index
        %parallel_loop3A_176 = arith.constant 64 : index
        %parallel_loop3A_177 = tpu.vector_load %arg9[%parallel_loop3A_175, %parallel_loop3A_176] {strides = array<i32>} : memref<64x128xf32, #tpu.memory_space<vmem>>, vector<16xf32>,
        tpu.vector_store %arg9[%parallel_loop3A_175, %parallel_loop3A_176], %parallel_loop3A_174 {strides = array<i32>} : memref<64x128xf32, #tpu.memory_space<vmem>>, vector<16xf32>,
        %parallel_loop3A_178 = arith.constant 0 : i32
        %parallel_loop3A_179 = vector.broadcast %parallel_loop3A_178 : i32 to vector<16xi32>
        %parallel_loop3A_180 = arith.muli %parallel_loop3A_179, %add3A_114 : vector<16xi32>
        %parallel_loop3A_181 = vector.broadcast %parallel_loop3A_132 : i32 to vector<16xi32>
        %parallel_loop3A_182 = arith.addi %parallel_loop3A_181, %parallel_loop3A_180 : vector<16xi32>
        %parallel_loop3A_183 = tpu.vector_load_idx %arg7[%add3A_114, %parallel_loop3A_182] : memref<128x128xf32, #tpu.memory_space<vmem>>[vector<16xi32>, vector<16xi32>], vector<16xf32>,
        %parallel_loop3A_184 = arith.index_cast %parallel_loop3A_132 : i32 to index
        %parallel_loop3A_185 = arith.constant 80 : index
        %parallel_loop3A_186 = tpu.vector_load %arg9[%parallel_loop3A_184, %parallel_loop3A_185] {strides = array<i32>} : memref<64x128xf32, #tpu.memory_space<vmem>>, vector<16xf32>,
        tpu.vector_store %arg9[%parallel_loop3A_184, %parallel_loop3A_185], %parallel_loop3A_183 {strides = array<i32>} : memref<64x128xf32, #tpu.memory_space<vmem>>, vector<16xf32>,
        %parallel_loop3A_187 = arith.constant 0 : i32
        %parallel_loop3A_188 = vector.broadcast %parallel_loop3A_187 : i32 to vector<16xi32>
        %parallel_loop3A_189 = arith.muli %parallel_loop3A_188, %add3A_117 : vector<16xi32>
        %parallel_loop3A_190 = vector.broadcast %parallel_loop3A_132 : i32 to vector<16xi32>
        %parallel_loop3A_191 = arith.addi %parallel_loop3A_190, %parallel_loop3A_189 : vector<16xi32>
        %parallel_loop3A_192 = tpu.vector_load_idx %arg7[%add3A_117, %parallel_loop3A_191] : memref<128x128xf32, #tpu.memory_space<vmem>>[vector<16xi32>, vector<16xi32>], vector<16xf32>,
        %parallel_loop3A_193 = arith.index_cast %parallel_loop3A_132 : i32 to index
        %parallel_loop3A_194 = arith.constant 96 : index
        %parallel_loop3A_195 = tpu.vector_load %arg9[%parallel_loop3A_193, %parallel_loop3A_194] {strides = array<i32>} : memref<64x128xf32, #tpu.memory_space<vmem>>, vector<16xf32>,
        tpu.vector_store %arg9[%parallel_loop3A_193, %parallel_loop3A_194], %parallel_loop3A_192 {strides = array<i32>} : memref<64x128xf32, #tpu.memory_space<vmem>>, vector<16xf32>,
        %parallel_loop3A_196 = arith.constant 0 : i32
        %parallel_loop3A_197 = vector.broadcast %parallel_loop3A_196 : i32 to vector<16xi32>
        %parallel_loop3A_198 = arith.muli %parallel_loop3A_197, %add3A_120 : vector<16xi32>
        %parallel_loop3A_199 = vector.broadcast %parallel_loop3A_132 : i32 to vector<16xi32>
        %parallel_loop3A_200 = arith.addi %parallel_loop3A_199, %parallel_loop3A_198 : vector<16xi32>
        %parallel_loop3A_201 = tpu.vector_load_idx %arg7[%add3A_120, %parallel_loop3A_200] : memref<128x128xf32, #tpu.memory_space<vmem>>[vector<16xi32>, vector<16xi32>], vector<16xf32>,
        %parallel_loop3A_202 = arith.index_cast %parallel_loop3A_132 : i32 to index
        %parallel_loop3A_203 = arith.constant 112 : index
        %parallel_loop3A_204 = tpu.vector_load %arg9[%parallel_loop3A_202, %parallel_loop3A_203] {strides = array<i32>} : memref<64x128xf32, #tpu.memory_space<vmem>>, vector<16xf32>,
        tpu.vector_store %arg9[%parallel_loop3A_202, %parallel_loop3A_203], %parallel_loop3A_201 {strides = array<i32>} : memref<64x128xf32, #tpu.memory_space<vmem>>, vector<16xf32>,
      } {sc.loop_unroll_factor = 4 : i64, sc.parallel_access}
      %add3A_124 = arith.constant 1 : i32
      %add3A_125 = arith.addi %mul3A_33, %add3A_124 : i32
      %dma_start3A_126 = arith.constant 0 : i32
      %dma_start3A_127 = tpu.memref_slice %arg4[%add3A_125, %dma_start3A_126, %mul3A_2] : memref<50x64x4096xf32, #tpu.memory_space<hbm>> -> memref<1x64x128xf32, #tpu.memory_space<hbm>>
      %dma_start3A_128 = tpu.memref_squeeze %dma_start3A_127 : memref<1x64x128xf32, #tpu.memory_space<hbm>> -> memref<64x128xf32, #tpu.memory_space<hbm>>
      %dma_start3A_129 = arith.constant 0 : i32
      %dma_start3A_130 = tpu.memref_slice %arg4[%add3A_125, %dma_start3A_129, %mul3A_2] : memref<50x64x4096xf32, #tpu.memory_space<hbm>> -> memref<1x64x128xf32, #tpu.memory_space<hbm>>
      %dma_start3A_131 = tpu.memref_squeeze %dma_start3A_130 : memref<1x64x128xf32, #tpu.memory_space<hbm>> -> memref<64x128xf32, #tpu.memory_space<hbm>>
      tpu.enqueue_dma source(%arg9 : memref<64x128xf32, #tpu.memory_space<vmem>>) target(%dma_start3A_131 : memref<64x128xf32, #tpu.memory_space<hbm>>) target_semaphore(%arg13 : memref<!tpu.dma_semaphore, #tpu.memory_space<semaphore_mem>>)
    }
    %scan3A_13 = arith.constant 25 : i32
    %dma_wait3A = arith.constant 0 : i32
    %dma_wait3A_14 = arith.constant 0 : i32
    %dma_wait3A_15 = arith.constant 0 : i32
    %dma_wait3A_16 = tpu.memref_slice %arg4[%dma_wait3A, %dma_wait3A_14, %dma_wait3A_15] : memref<50x64x4096xf32, #tpu.memory_space<hbm>> -> memref<1x64x128xf32, #tpu.memory_space<hbm>>
    %dma_wait3A_17 = tpu.memref_squeeze %dma_wait3A_16 : memref<1x64x128xf32, #tpu.memory_space<hbm>> -> memref<64x128xf32, #tpu.memory_space<hbm>>
    %dma_wait3A_18 = arith.constant 0 : i32
    %dma_wait3A_19 = arith.constant 0 : i32
    %dma_wait3A_20 = tpu.memref_slice %arg4[%dma_wait3A, %dma_wait3A_18, %dma_wait3A_19] : memref<50x64x4096xf32, #tpu.memory_space<hbm>> -> memref<1x64x128xf32, #tpu.memory_space<hbm>>
    %dma_wait3A_21 = tpu.memref_squeeze %dma_wait3A_20 : memref<1x64x128xf32, #tpu.memory_space<hbm>> -> memref<64x128xf32, #tpu.memory_space<hbm>>
    tpu.wait_dma2 semaphore(%arg12 : memref<!tpu.dma_semaphore, #tpu.memory_space<semaphore_mem>>) src(%dma_wait3A_21 : memref<64x128xf32, #tpu.memory_space<hbm>>) dst(%arg8 : memref<64x128xf32, #tpu.memory_space<vmem>>)
    %dma_wait3A_22 = arith.constant 0 : i32
    %dma_wait3A_23 = arith.constant 0 : i32
    %dma_wait3A_24 = arith.constant 0 : i32
    %dma_wait3A_25 = tpu.memref_slice %arg4[%dma_wait3A_22, %dma_wait3A_23, %dma_wait3A_24] : memref<50x64x4096xf32, #tpu.memory_space<hbm>> -> memref<1x64x128xf32, #tpu.memory_space<hbm>>
    %dma_wait3A_26 = tpu.memref_squeeze %dma_wait3A_25 : memref<1x64x128xf32, #tpu.memory_space<hbm>> -> memref<64x128xf32, #tpu.memory_space<hbm>>
    %dma_wait3A_27 = arith.constant 0 : i32
    %dma_wait3A_28 = arith.constant 0 : i32
    %dma_wait3A_29 = tpu.memref_slice %arg4[%dma_wait3A_22, %dma_wait3A_27, %dma_wait3A_28] : memref<50x64x4096xf32, #tpu.memory_space<hbm>> -> memref<1x64x128xf32, #tpu.memory_space<hbm>>
    %dma_wait3A_30 = tpu.memref_squeeze %dma_wait3A_29 : memref<1x64x128xf32, #tpu.memory_space<hbm>> -> memref<64x128xf32, #tpu.memory_space<hbm>>
    tpu.wait_dma2 semaphore(%arg13 : memref<!tpu.dma_semaphore, #tpu.memory_space<semaphore_mem>>) src(%dma_wait3A_30 : memref<64x128xf32, #tpu.memory_space<hbm>>) dst(%arg9 : memref<64x128xf32, #tpu.memory_space<vmem>>)
    return
  }
}

</mosaic_0001>

<sc_bundles>
// kernel: kernel.3.cloned.1.call-start
scs
__scs_entry_jumppad:
0x0: {  	(pc) =	sbr.rel $0x88, $3  }
0x1: {  	(tag) =	ssettag $0x0;
	lr =	simm.s32 $0x1  }
0x2: {  	[smem:$0x3F9F] =	sst lr;
	_ =	strace $0xD0000000  }
0x3: {  	_ = 	snop  }
0x4: {  	_ = 	snop  }
0x5: {  	_ = 	snop  }
0x6: {  	_ = 	snop  }
0x7: {  	_ = 	snop  }
__scs_overlays_trampoline_lowered:
0x8: {  	[smem:$0x3FAE] =	sst s0  }
0x9: {  	[smem:$0x3FAF] =	sst s1  }
0xa: {  	[smem:$0x3FB0] =	sst s2  }
0xb: {  	[smem:$0x3FB1] =	sst s3  }
0xc: {  	[smem:$0x3FB2] =	sst s4  }
0xd: {  	[smem:$0x3FB3] =	sst s5  }
0xe: {  	[smem:$0x3FB4] =	sst s6  }
0xf: {  	[smem:$0x3FB5] =	sst s7  }
0x10: {  	[smem:$0x3FB6] =	sst s8  }
0x11: {  	[smem:$0x3FB7] =	sst s9;
	s0 =	simm.s32 @!p0 $0x0  }
0x12: {  	s1 =	sld [smem:$0x3F9D];
	s0 =	simm.s32 @p0 $0x1  }
0x13: {  	[smem:$0x3FB8] =	sst s0;
	s0 =	simm.s32 @!p1 $0x0  }
0x14: {  	s2 =	sld [smem:$0x3F9C];
	s0 =	simm.s32 @p1 $0x1  }
0x15: {  	[smem:$0x3FB9] =	sst s0;
	s0 =	simm.s32 @!p2 $0x0  }
0x16: {  	s3 =	sld [smem:$0x3FDB];
	s0 =	simm.s32 @p2 $0x1  }
0x17: {  	s4 =	simm.s32 $0x1BF5;
	[smem:$0x3FBB] =	sst s0  }
0x18: {  	s0 =	sld [smem:$0x3F9E];
	_ =	swait.ge [sflag:s4], $0x0  }
0x19: {  	s7 =	sld [smem:$0x3F9F]  }
0x1a: {  	s8 =	sadd.s32 $0xFFFFE003, lr  }
0x1b: {  	s9 =	sadd.s32 $0xFFFFFEF7, lr;
	s5 =	simm.s32 $0xFFFFFFFF;
	p2 =	slt.u32 s8, $0xFFFFF086  }
0x1c: {  	p1 =	slt.u32 s9, $0xF7A;
	s5 =	simm.s32 @!p2 $0x0  }
0x1d: {  	s5 =	simm.s32 @p1 $0x1;
	p0 =	seq.s32 s7, s2  }
0x1e: {  	s7 =	smul.u32 @!p0 $0xF7A, s2;
	p2 =	seq.s32 @!p0 s5, $0x0  }
0x1f: {  	s9 =	smul.u32 $0xF7A, s1;
	s8 =	simm.s32 @!p0 $0x1BF5;
	p2 =	por !p2, p0  }
0x20: {  	[sflag:s8] =	ssyncset.s32 @!p0 $0xFFFFF086;
	s6 =	sadd.s32 @!p0 s3, s7;
	s7 =	simm.s32 @!p0 $0x108  }
0x21: {  	s3 =	sadd.s32 s3, s9;
	s6 =	sadd.s32 @!p0 $0x88, s6;
	s7 =	simm.s32 @p2 $0x1082  }
0x22: {  	[simem:s7], [sflag:s8] =	dma.local @!p0 [hbm:s6], $0xF7A  }
0x23: {  	s9 =	sor.u32 $0xD0000000, s2;
	s6 =	simm.s32 $0x108;
	_ =	swait.ge @!p0 [sflag:s8], $0x0  }
0x24: {  	s3 =	sadd.s32 $0x88, s3;
	s6 =	simm.s32 @!p1 $0x1082;
	[sflag:s4] =	ssyncset.s32 $0xFFFFF086  }
0x25: {  	[simem:s6], [sflag:s4] =	dma.local [hbm:s3], $0xF7A  }
0x26: {  	[smem:$0x3F9F] =	sst s1;
	(tag) =	ssettag s2;
	_ =	strace s9  }
0x27: {  	s1 =	sld [smem:$0x3FAF]  }
0x28: {  	s2 =	sld [smem:$0x3FB0]  }
0x29: {  	s4 =	sld [smem:$0x3FB2]  }
0x2a: {  	p0 =	seq.s32 s5, $0x0;
	s5 =	sld [smem:$0x3FB3]  }
0x2b: {  	s6 =	sld [smem:$0x3FB4]  }
0x2c: {  	s7 =	sld [smem:$0x3FB5]  }
0x2d: {  	s3 =	simm.s32 $0x108;
	s8 =	sld [smem:$0x3FB6]  }
0x2e: {  	s3 =	simm.s32 @!p0 $0x1082;
	s9 =	sld [smem:$0x3FB7]  }
0x2f: {  	lr =	sadd.s32 s0, s3;
	s0 =	sld [smem:$0x3FAE]  }
0x30: {  	s3 =	sld [smem:$0x3FB1]  }
0x31: {  	[smem:$0x3FBA] =	sst s10  }
0x32: {  	s10 =	sld [smem:$0x3FB8];
	_ =	sdelay $0x3  }
0x33: {  	p0 =	seq.s32 s10, $0x1;
	s10 =	sld [smem:$0x3FBA];
	_ =	sdelay $0x3  }
0x34: {  	[smem:$0x3FBA] =	sst s10  }
0x35: {  	s10 =	sld [smem:$0x3FB9];
	_ =	sdelay $0x3  }
0x36: {  	p1 =	seq.s32 s10, $0x1;
	s10 =	sld [smem:$0x3FBA];
	_ =	sdelay $0x3  }
0x37: {  	[smem:$0x3FBA] =	sst s10  }
0x38: {  	s10 =	sld [smem:$0x3FBB]  }
0x39: {  	_ = 	snop;
	(pc) =	sbr.ind lr, $3  }
0x3a: {  	_ = 	snop  }
0x3b: {  	_ = 	snop  }
0x3c: {  	p2 =	seq.s32 s10, $0x1;
	s10 =	sld [smem:$0x3FBA]  }
0x3d: {  	_ =	shalt  }
0x3e: {  	_ =	shalt  }
0x3f: {  	_ =	shalt  }
0x40: {  	_ =	shalt  }
0x41: {  	_ =	shalt  }
0x42: {  	_ =	shalt  }
0x43: {  	_ =	shalt  }
0x44: {  	_ =	shalt  }
0x45: {  	_ =	shalt  }
0x46: {  	_ =	shalt  }
0x47: {  	_ =	shalt  }
0x48: {  	_ =	shalt  }
0x49: {  	_ =	shalt  }
0x4a: {  	_ =	shalt  }
0x4b: {  	_ =	shalt  }
0x4c: {  	_ =	shalt  }
0x4d: {  	_ =	shalt  }
0x4e: {  	_ =	shalt  }
0x4f: {  	_ =	shalt  }
0x50: {  	_ =	shalt  }
0x51: {  	_ =	shalt  }
0x52: {  	_ =	shalt  }
0x53: {  	_ =	shalt  }
0x54: {  	_ =	shalt  }
0x55: {  	_ =	shalt  }
0x56: {  	_ =	shalt  }
0x57: {  	_ =	shalt  }
0x58: {  	_ =	shalt  }
0x59: {  	_ =	shalt  }
0x5a: {  	_ =	shalt  }
0x5b: {  	_ =	shalt  }
0x5c: {  	_ =	shalt  }
0x5d: {  	_ =	shalt  }
0x5e: {  	_ =	shalt  }
0x5f: {  	_ =	shalt  }
0x60: {  	_ =	shalt  }
0x61: {  	_ =	shalt  }
0x62: {  	_ =	shalt  }
0x63: {  	_ =	shalt  }
0x64: {  	_ =	shalt  }
0x65: {  	_ =	shalt  }
0x66: {  	_ =	shalt  }
0x67: {  	_ =	shalt  }
0x68: {  	_ =	shalt  }
0x69: {  	_ =	shalt  }
0x6a: {  	_ =	shalt  }
0x6b: {  	_ =	shalt  }
0x6c: {  	_ =	shalt  }
0x6d: {  	_ =	shalt  }
0x6e: {  	_ =	shalt  }
0x6f: {  	_ =	shalt  }
0x70: {  	_ =	shalt  }
0x71: {  	_ =	shalt  }
0x72: {  	_ =	shalt  }
0x73: {  	_ =	shalt  }
0x74: {  	_ =	shalt  }
0x75: {  	_ =	shalt  }
0x76: {  	_ =	shalt  }
0x77: {  	_ =	shalt  }
0x78: {  	_ =	shalt  }
0x79: {  	_ =	shalt  }
0x7a: {  	_ =	shalt  }
0x7b: {  	_ =	shalt  }
0x7c: {  	_ =	shalt  }
0x7d: {  	_ =	shalt  }
0x7e: {  	_ =	shalt  }
0x7f: {  	_ =	shalt  }
0x80: {  	_ =	shalt  }
0x81: {  	_ =	shalt  }
0x82: {  	_ =	shalt  }
0x83: {  	_ =	shalt  }
0x84: {  	_ =	shalt  }
0x85: {  	_ =	shalt  }
0x86: {  	_ =	shalt  }
0x87: {  	_ =	shalt  }
.Lfunc_end0:
.L_simem_size_0:
called_computation_lowered:
.L_overlay_start_0:
0x88: {  	s2 =	sld [smem:$0x3FD9]  }
0x89: {  	s3 =	sld [smem:$0x3FFE];
	_ =	sdelay $0x1  }
0x8a: {  	s1 =	srdreg.scid  }
0x8b: {  	s0 =	sand.u32 $0x1, s1  }
0x8c: {  	s17 =	sshll.u32 s0, $0xA;
	s2 =	sadd.s32 s3, s2  }
0x8d: {  	s2 =	sadd.s32 s2, s17  }
0x8e: {  	[smem:$0x3FC6] =	sst s2  }
0x8f: {  	_ = 	snop  }
0x90: {  	s2 =	sld [smem:$0x3FC8]  }
0x91: {  	s18 =	sld [smem:$0x3FD0];
	(tm) =	ssettm $0x1  }
0x92: {  	s4 =	sld [smem:$0x3FFB];
	_ =	sdelay $0x3  }
0x93: {  	_ =	strace s4  }
0x94: {  	s4 =	sld [smem:$0x3FFC];
	_ =	sdelay $0x3  }
0x95: {  	_ =	strace s4  }
0x96: {  	s4 =	sld [smem:$0x3FFD];
	_ =	sdelay $0x3  }
0x97: {  	_ =	strace s4  }
0x98: {  	_ =	strace $0x8FFFFFFF  }
0x99: {  	s19 =	sld [smem:$0x3FDB];
	_ =	sdelay $0x1  }
0x9a: {  	s5 =	simm.s32 $_scs_section_size  }
0x9b: {  	s6 =	simm.s32 $_size__tile_overlayer_lowered;
	s7 =	simm.s32 $_tile_overlayer_lowered  }
0x9c: {  	s22 =	simm.s32 $0x1BFF;
	s21 =	sshll.u32 s7, $0x1;
	s4 =	sadd.s32 s5, s19  }
0x9d: {  	s8 =	simm.s32 $0x0;
	s20 =	sshll.u32 s6, $0x1;
	s6 =	sadd.s32 s21, s4  }
0x9e: {  	[timem:s8], [sflag:s22] =	dma.local [hbm:s6], s20  }
0x9f: {  	_ =	swait.ge [sflag:s22], s20  }
0xa0: {  	s5 =	ssub.s32 $0x0, s20;
	[sflag:s22] =	ssyncset.done $0x0  }
0xa1: {  	[sflag:s22] =	ssyncadd.s32 s5;
	_ =	sdelay $0x1  }
0xa2: {  	s23 =	simm.s32 $0x1B8B  }
0xa3: {  	_ =	swait.ge [sflag:s23], $0x1  }
0xa4: {  	[sflag:s23] =	ssyncset.done $0x0  }
0xa5: {  	s25 =	simm.s32 $0x1B8E;
	s24 =	sld [smem:$0x3FFE];
	[sflag:s23] =	ssyncadd.s32 $0xFFFFFFFF  }
0xa6: {  	s26 =	simm.s32 $execute0_lowered;
	[smem:$0x3FD2] =	sst s25  }
0xa7: {  	s6 =	sshll.u32 s26, $0x1;
	_ =	strace $0x80000046;
	[dreg:$0x1] =	wrdreg $0xFFFFFFFF  }
0xa8: {  	s28 =	simm.s32 $_size_execute0_lowered;
	s4 =	sadd.s32 s4, s6;
	[dreg:$0x0] =	wrdreg $0x0  }
0xa9: {  	s6 =	sshll.u32 s28, $0x1;
	[dreg:$0x2] =	wrdreg s4  }
0xaa: {  	[dreg:$0x3] =	wrdreg s6  }
0xab: {  	[dreg:$0x4] =	wrdreg $0xC0  }
0xac: {  	_ =	task [dreg:s8], $0x5FFFF  }
0xad: {  	[dreg:$0x1] =	wrdreg $0xFFFFFFFF  }
0xae: {  	[dreg:$0x0] =	wrdreg $0x60  }
0xaf: {  	[dreg:$0x2] =	wrdreg s24  }
0xb0: {  	[dreg:$0x3] =	wrdreg s2  }
0xb1: {  	[dreg:$0x4] =	wrdreg s18  }
0xb2: {  	[dreg:$0x5] =	wrdreg $0x9  }
0xb3: {  	_ =	task.clear_ibuf [dreg:s8], $0x6FFFF;
	_ =	strace $0x90000046  }
0xb4: {  	s29 =	simm.s32 $0x9;
	_ =	strace $0x80000048  }
0xb5: {  	_ =	swait.ge [sflag:s29], $0x1  }
0xb6: {  	[sflag:s29] =	ssyncadd.s32 $0xFFFFFFFF  }
0xb7: {  	_ =	strace $0x90000048  }
0xb8: {  	_ =	sfence  }
0xb9: {  	s30 =	sld [smem:$0x0];
	_ =	sdelay $0x2  }
0xba: {  	s31 =	sshll.u32 s1, $0xD;
	s1 =	sshrl.u32 s1, $0x2  }
0xbb: {  	s3 =	sand.u32 $0x4000, s31;
	s1 =	sadd.s32 s1, s30  }
0xbc: {  	s0 =	sor.u32 s3, s0;
	s1 =	sshll.u32 s1, $0x11  }
0xbd: {  	s0 =	sor.u32 s1, s0  }
0xbe: {  	s0 =	sadd.s32 $0x8F2B, s0  }
0xbf: {  	[sflag:s0] =	ssyncadd.remote.s32 $0x1  }
0xc0: {  	_ =	sfence.sel $0xFFFF  }
0xc1: {  	[dreg:$0x0] =	wrdreg $0xFFFFFFFF;
	(pc) =	sbr.abs _section_cstart, $3  }
0xc2: {  	[dreg:$0x1] =	wrdreg $0xFFFFFFFF  }
0xc3: {  	_ =	task.clear_ibuf [dreg:s8], $0x2FFFF;
	_ =	strace $0x9FFFFFFF  }
0xc4: {  	(tm) =	ssettm $0x7FFFFFFF  }
0xc5: {  	_ =	shalt  }
tec
execute0_lowered:
.L_overlay_start_1:
0x0: {  	(tag) =	ssettag $0x1  }
0x1: {  	s6 =	rddreg [dreg:$0x0]  }
0x2: {  	s1 =	srdreg.scid;
	s5 =	rddreg [dreg:$0x1]  }
0x3: {  	s0 =	stileid.u32;
	s2 =	rddreg [dreg:$0x2]  }
0x4: {  	s3 =	simm.s32 $0x0;
	s10 =	simm.s32 $0x8000;
	s11 =	simm.s32 $0x1800  }
0x5: {  	s12 =	simm.s32 $0x5;
	s13 =	simm.s32 $0x80;
	s14 =	simm.s32 $0x1C00  }
0x6: {  	s15 =	simm.s32 $0x1;
	s16 =	simm.s32 $0x5C00;
	s17 =	simm.s32 $0x9C00  }
0x7: {  	s18 =	simm.s32 $0x2;
	s19 =	simm.s32 $0xBC00;
	s20 =	simm.s32 $0x3  }
0x8: {  	v0 =	vlaneseq.u32;
	s21 =	simm.s32 $0x4;
	s22 =	simm.s32 $0x0;
	s7 =	sand.u32 $0x1, s1  }
0x9: {  	s4 =	sshll.u32 s0, $0xB;
	s1 =	rddreg [dreg:$0x3];
	v0 =	vmul.u32 $0x80, v0;
	s8 =	sshll.u32 s7, $0xA  }
0xa: {  	[smem:$0x7FF] =	sst s3;
	s7 =	ssub.s32 $0x2, s7;
	s4 =	sor.u32 s8, s4  }
0xb: {  	s6 =	sadd.s32 $0x400, s6;
	s9 =	sshrl.u32 s7, $0x1;
	v1 =	vor.u32 $0x800, v0;
	s8 =	sshrl.u32 s4, $0x3  }
0xc: {  	_ =	strace $0x80000047;
	v2 =	vor.u32 $0x1000, v0;
	v3 =	vor.u32 $0x1800, v0;
	v4 =	vor.u32 $0x2000, v0;
	s31 =	ssub.s32 s7, s9;
	s5 =	sadd.s32 s5, s8  }
0xd: {  	v5 =	vor.u32 $0x2800, v0;
	v6 =	vor.u32 $0x3000, v0;
	v7 =	vor.u32 $0x3800, v0;
	s9 =	simm.s32 $0x400;
	s8 =	smax.u32 s31, $0x1;
	s7 =	sadd.s32 $0x6000, s5  }
.LBB2_1:
0xe: {  	[tilespmem:s3], [sflag:$0x5] =	stream.strided.gather [hbm4b:s5+s9], $0x1800, s10, s9, $0x38;
	[tilespmem:$0xDC00] =	vst v63  }
0xf: {  	_ = 	snop  }
0x10: {  	[tilespmem:s11], [sflag:$0x5] =	stream.linear.gather [hbm4b:s7+s3], $0x100, $0x38;
	[tilespmem:$0xDC00] =	vst v63  }
0x11: {  	_ =	swait.ge [sflag:s12], $0x1900  }
0x12: {  	[sflag:s12] =	ssyncset.done $0x0  }
0x13: {  	s23 =	simm.s32 $0x0;
	[sflag:s12] =	ssyncadd.s32 $0xFFFFE700  }
0x14: {  	[tilespmem:s14], [sflag:$0x1] =	stream.indirect.gather [hbm4b:s6+s13], $0x80, s3, s13, $0xb8;
	[tilespmem:$0xDC00] =	vst v63  }
.LBB2_2:
0x15: {  	_ =	swait.ge [sflag:s15], $0x4000;
	s24 =	sshllo.u32 s23, $0x1;
	s25 =	simm.s32 $0x3  }
0x16: {  	s28 =	simm.s32 $0x1;
	[sflag:s15] =	ssyncset.done $0x0;
	s26 =	sshll.u32 s24, $0x7;
	v8 =	vmov s25  }
0x17: {  	s31 =	simm.s32 $0x2;
	v9 =	vmov s28;
	[sflag:s15] =	ssyncadd.s32 $0xFFFFC000;
	s26 =	sand.u32 $0x3FFFFF80, s26;
	v8 =	vand.u32 $0x7F, v8  }
0x18: {  	v10 =	vmov s31;
	v9 =	vand.u32 $0x7D, v9;
	[tilespmem:s16], [sflag:$0x2] =	stream.indirect.gather [hbm4b:s6+s13], $0x80, s26, s13, $0xb8;
	v14 =	vbroadcast v8, $0x0;
	[tilespmem:$0xDC00] =	vst v63  }
0x19: {  	s26 =	simm.s32 $0x0;
	v17 =	vbroadcast v9, $0x0;
	v8 =	vand.u32 $0x7E, v10  }
0x1a: {  	p0 =	seq.s32 s23, $0x0;
	v9 =	vmov s26;
	v16 =	vbroadcast v8, $0x0;
	v8 =	vor.u32 v0, v14  }
0x1b: {  	s25 =	simm.s32 @!p0 $0x3;
	v9 =	vand.u32 $0x7C, v9;
	v10 =	vor.u32 v0, v17  }
0x1c: {  	_ =	swait.ge @!p0 [sflag:s25], $0x2000;
	v12 =	vbroadcast v9, $0x0;
	v9 =	vor.u32 v0, v16  }
0x1d: {  	[sflag:s25] =	ssyncset.done @!p0 $0x0  }
0x1e: {  	[sflag:s25] =	ssyncadd.s32 @!p0 $0xFFFFE000;
	v11 =	vor.u32 v0, v12  }
0x1f: {  	v8 =	vld.idx.msk [tilespmem:v8+s14+$0x0], $0xffff  }
0x20: {  	v13 =	vor.u32 v1, v14;
	v10 =	vld.idx.msk [tilespmem:v10+s14+$0x0], $0xffff  }
0x21: {  	v15 =	vor.u32 v1, v17;
	v9 =	vld.idx.msk [tilespmem:v9+s14+$0x0], $0xffff  }
0x22: {  	v18 =	vor.u32 v1, v16  }
0x23: {  	s26 =	simm.s32 $0x9D00;
	v11 =	vld.idx.msk [tilespmem:v11+s14+$0x0], $0xffff  }
0x24: {  	v19 =	vor.u32 v1, v12;
	[tilespmem:s26+$0x80] =	vst v8  }
0x25: {  	[tilespmem:s26+$0xFFFFFF80] =	vst v10;
	v8 =	vld.idx.msk [tilespmem:v13+s14+$0x0], $0xffff  }
0x26: {  	v10 =	vld.idx.msk [tilespmem:v15+s14+$0x0], $0xffff;
	[tilespmem:s26+$0x0] =	vst v9;
	v9 =	vor.u32 v2, v14  }
0x27: {  	v15 =	vor.u32 v2, v17;
	v13 =	vld.idx.msk [tilespmem:v18+s14+$0x0], $0xffff  }
0x28: {  	[tilespmem:s26+$0xFFFFFF00] =	vst v11;
	v11 =	vor.u32 v2, v16  }
0x29: {  	v18 =	vld.idx.msk [tilespmem:v19+s14+$0x0], $0xffff  }
0x2a: {  	s31 =	simm.s32 $0x4;
	v19 =	vor.u32 v2, v12;
	[tilespmem:s26+$0x90] =	vst v8  }
0x2b: {  	v8 =	vmov s31;
	[tilespmem:s26+$0xFFFFFF90] =	vst v10;
	v10 =	vld.idx.msk [tilespmem:v9+s14+$0x0], $0xffff  }
0x2c: {  	s31 =	simm.s32 $0x5;
	v8 =	vand.u32 $0x7C, v8;
	v15 =	vld.idx.msk [tilespmem:v15+s14+$0x0], $0xffff;
	[tilespmem:s26+$0x10] =	vst v13;
	v13 =	vor.u32 v3, v14  }
0x2d: {  	v20 =	vor.u32 v3, v17;
	v9 =	vmov s31;
	v8 =	vbroadcast v8, $0x0;
	v11 =	vld.idx.msk [tilespmem:v11+s14+$0x0], $0xffff  }
0x2e: {  	v9 =	vand.u32 $0x7D, v9;
	[tilespmem:s26+$0xFFFFFF10] =	vst v18;
	v18 =	vor.u32 v3, v16  }
0x2f: {  	v9 =	vbroadcast v9, $0x0;
	v21 =	vor.u32 v0, v8;
	v19 =	vld.idx.msk [tilespmem:v19+s14+$0x0], $0xffff  }
0x30: {  	v22 =	vor.u32 v3, v12;
	s31 =	simm.s32 $0x7;
	[tilespmem:s26+$0xA0] =	vst v10  }
0x31: {  	v23 =	vor.u32 v0, v9;
	[tilespmem:s26+$0xFFFFFFA0] =	vst v15;
	v10 =	vmov s31;
	s31 =	simm.s32 $0x6;
	v15 =	vld.idx.msk [tilespmem:v13+s14+$0x0], $0xffff  }
0x32: {  	v20 =	vld.idx.msk [tilespmem:v20+s14+$0x0], $0xffff;
	[tilespmem:s26+$0x20] =	vst v11;
	v11 =	vor.u32 v4, v14;
	v10 =	vand.u32 $0x7F, v10;
	v25 =	vmov s31  }
0x33: {  	v24 =	vor.u32 v4, v17;
	v18 =	vld.idx.msk [tilespmem:v18+s14+$0x0], $0xffff;
	v13 =	vbroadcast v10, $0x0;
	v10 =	vand.u32 $0x7E, v25  }
0x34: {  	v21 =	vld.idx.msk [tilespmem:v21+s14+$0x0], $0xffff;
	[tilespmem:s26+$0xFFFFFF20] =	vst v19;
	v19 =	vor.u32 v4, v16;
	v10 =	vbroadcast v10, $0x0  }
0x35: {  	v22 =	vld.idx.msk [tilespmem:v22+s14+$0x0], $0xffff;
	v25 =	vor.u32 v0, v13  }
0x36: {  	v23 =	vld.idx.msk [tilespmem:v23+s14+$0x0], $0xffff;
	v26 =	vor.u32 v0, v10;
	[tilespmem:s26+$0xB0] =	vst v15  }
0x37: {  	s28 =	simm.s32 $0x8;
	v15 =	vor.u32 v4, v12;
	[tilespmem:s26+$0xFFFFFFB0] =	vst v20;
	v20 =	vld.idx.msk [tilespmem:v11+s14+$0x0], $0xffff  }
0x38: {  	v11 =	vmov s28;
	v24 =	vld.idx.msk [tilespmem:v24+s14+$0x0], $0xffff;
	[tilespmem:s26+$0x30] =	vst v18;
	v18 =	vor.u32 v5, v14  }
0x39: {  	v27 =	vor.u32 v5, v17;
	v11 =	vand.u32 $0x7C, v11;
	v19 =	vld.idx.msk [tilespmem:v19+s14+$0x0], $0xffff  }
0x3a: {  	v11 =	vbroadcast v11, $0x0;
	[tilespmem:s26+$0xFFFFFF30] =	vst v22;
	v22 =	vld.idx.msk [tilespmem:v25+s14+$0x0], $0xffff;
	v25 =	vor.u32 v5, v16  }
0x3b: {  	v30 =	vor.u32 v1, v13;
	v26 =	vld.idx.msk [tilespmem:v26+s14+$0x0], $0xffff  }
0x3c: {  	v28 =	vor.u32 v0, v11;
	v29 =	vld.idx.msk [tilespmem:v15+s14+$0x0], $0xffff;
	[tilespmem:s26+$0xC0] =	vst v20  }
0x3d: {  	v20 =	vor.u32 v1, v9;
	[tilespmem:s26+$0xFFFFFFC0] =	vst v24;
	v18 =	vld.idx.msk [tilespmem:v18+s14+$0x0], $0xffff  }
0x3e: {  	s25 =	simm.s32 $0x9F00;
	v24 =	vor.u32 v1, v10;
	v27 =	vld.idx.msk [tilespmem:v27+s14+$0x0], $0xffff;
	[tilespmem:s26+$0x40] =	vst v19  }
0x3f: {  	v19 =	vld.idx.msk [tilespmem:v25+s14+$0x0], $0xffff;
	v25 =	vor.u32 v6, v14;
	[tilespmem:s25+$0x80] =	vst v22  }
0x40: {  	[tilespmem:s25+$0xFFFFFF80] =	vst v23;
	v23 =	vor.u32 v5, v12;
	v22 =	vld.idx.msk [tilespmem:v30+s14+$0x0], $0xffff  }
0x41: {  	[tilespmem:s25+$0xFFFFFF00] =	vst v21;
	v15 =	vld.idx.msk [tilespmem:v28+s14+$0x0], $0xffff;
	v28 =	vor.u32 v1, v8  }
0x42: {  	[tilespmem:s25+$0x0] =	vst v26;
	v26 =	vor.u32 v6, v17;
	v20 =	vld.idx.msk [tilespmem:v20+s14+$0x0], $0xffff  }
0x43: {  	v30 =	vor.u32 v2, v13;
	v24 =	vld.idx.msk [tilespmem:v24+s14+$0x0], $0xffff;
	[tilespmem:s26+$0xD0] =	vst v18  }
0x44: {  	v21 =	vor.u32 v2, v9;
	[tilespmem:s26+$0xFFFFFF40] =	vst v29;
	v25 =	vld.idx.msk [tilespmem:v25+s14+$0x0], $0xffff  }
0x45: {  	v14 =	vor.u32 v7, v14;
	v23 =	vld.idx.msk [tilespmem:v23+s14+$0x0], $0xffff;
	[tilespmem:s26+$0xFFFFFFD0] =	vst v27  }
0x46: {  	v31 =	vor.u32 v2, v10;
	[tilespmem:s25+$0x90] =	vst v22;
	v28 =	vld.idx.msk [tilespmem:v28+s14+$0x0], $0xffff  }
0x47: {  	v32 =	vor.u32 v6, v12;
	v18 =	vld.idx.msk [tilespmem:v26+s14+$0x0], $0xffff;
	[tilespmem:s25+$0xFFFFFF90] =	vst v20  }
0x48: {  	s29 =	simm.s32 $0x9;
	v27 =	vor.u32 v2, v8;
	v20 =	vld.idx.msk [tilespmem:v30+s14+$0x0], $0xffff;
	[tilespmem:s25+$0x10] =	vst v24  }
0x49: {  	v22 =	vor.u32 v6, v16;
	v30 =	vld.idx.msk [tilespmem:v21+s14+$0x0], $0xffff;
	v21 =	vmov s29;
	[tilespmem:s26+$0xE0] =	vst v25  }
0x4a: {  	v33 =	vor.u32 v3, v13;
	[tilespmem:s26+$0xFFFFFF50] =	vst v23;
	v26 =	vld.idx.msk [tilespmem:v14+s14+$0x0], $0xffff;
	v14 =	vand.u32 $0x7D, v21  }
0x4b: {  	v31 =	vld.idx.msk [tilespmem:v31+s14+$0x0], $0xffff;
	[tilespmem:s25+$0xFFFFFF10] =	vst v28;
	v28 =	vor.u32 v3, v9;
	v14 =	vbroadcast v14, $0x0  }
0x4c: {  	v29 =	vor.u32 v3, v10;
	[tilespmem:s26+$0x50] =	vst v19;
	v19 =	vld.idx.msk [tilespmem:v32+s14+$0x0], $0xffff  }
0x4d: {  	v24 =	vld.idx.msk [tilespmem:v27+s14+$0x0], $0xffff;
	[tilespmem:s25+$0xA0] =	vst v20;
	v20 =	vor.u32 v0, v14  }
0x4e: {  	v21 =	vld.idx.msk [tilespmem:v22+s14+$0x0], $0xffff;
	v27 =	vor.u32 v3, v8  }
0x4f: {  	v25 =	vor.u32 v7, v17;
	[tilespmem:s25+$0xFFFFFFA0] =	vst v30;
	v22 =	vld.idx.msk [tilespmem:v33+s14+$0x0], $0xffff  }
0x50: {  	s30 =	simm.s32 $0xB;
	s29 =	simm.s32 $0xC;
	[tilespmem:s25+$0x20] =	vst v31;
	v23 =	vld.idx.msk [tilespmem:v28+s14+$0x0], $0xffff;
	v28 =	vor.u32 v7, v16  }
.LBB2_3:
0x51: {  	p0 =	slt.u32 s29, $0x3C;
	v16 =	vmov s30;
	v17 =	vld.idx.msk [tilespmem:v29+s14+$0x0], $0xffff;
	v29 =	vor.u32 v4, v13;
	[tilespmem:s26+$0xF0] =	vst v26  }
0x52: {  	s30 =	sadd.s32 $0x2, s28;
	s28 =	smov.u32 s29;
	v20 =	vld.idx.msk [tilespmem:v20+s14+$0x0], $0xffff;
	v16 =	vand.u32 $0x7F, v16;
	[tilespmem:s25+$0xFFFFFF20] =	vst v24;
	v24 =	vor.u32 v4, v9  }
0x53: {  	v30 =	vor.u32 v4, v10;
	v26 =	vmov s30;
	v16 =	vbroadcast v16, $0x0;
	v27 =	vld.idx.msk [tilespmem:v27+s14+$0x0], $0xffff;
	[tilespmem:s26+$0xFFFFFFE0] =	vst v18  }
0x54: {  	v18 =	vand.u32 $0x7E, v26;
	v26 =	vor.u32 v7, v12;
	v12 =	vmovc v8;
	v8 =	vmov v11;
	v25 =	vld.idx.msk [tilespmem:v25+s14+$0x0], $0xffff;
	[tilespmem:s26+$0x60] =	vst v21  }
0x55: {  	v31 =	vbroadcast v18, $0x0;
	v18 =	vor.u32 v0, v16;
	[tilespmem:s25+$0xB0] =	vst v22;
	v21 =	vld.idx.msk [tilespmem:v28+s14+$0x0], $0xffff  }
0x56: {  	v22 =	vor.u32 v4, v12;
	[tilespmem:s25+$0xFFFFFFB0] =	vst v23;
	v23 =	vld.idx.msk [tilespmem:v29+s14+$0x0], $0xffff  }
0x57: {  	v11 =	vmov s29;
	v28 =	vor.u32 v0, v31;
	v24 =	vld.idx.msk [tilespmem:v24+s14+$0x0], $0xffff;
	[tilespmem:s25+$0x30] =	vst v17  }
0x58: {  	v11 =	vand.u32 $0x7C, v11;
	v29 =	vor.u32 v5, v13;
	v17 =	vld.idx.msk [tilespmem:v30+s14+$0x0], $0xffff;
	[tilespmem:s26+$0xFFFFFF60] =	vst v19  }
0x59: {  	v11 =	vbroadcast v11, $0x0;
	v19 =	vor.u32 v5, v9;
	[tilespmem:s25+$0xFFFFFF30] =	vst v27;
	v26 =	vld.idx.msk [tilespmem:v26+s14+$0x0], $0xffff  }
0x5a: {  	v27 =	vor.u32 v5, v10;
	v18 =	vld.idx.msk [tilespmem:v18+s14+$0x0], $0xffff;
	[tilespmem:s26+$0xFFFFFFF0] =	vst v25  }
0x5b: {  	v25 =	vor.u32 v0, v11;
	v22 =	vld.idx.msk [tilespmem:v22+s14+$0x0], $0xffff;
	[tilespmem:s26+$0x70] =	vst v21  }
0x5c: {  	v21 =	vld.idx.msk [tilespmem:v28+s14+$0x0], $0xffff;
	v28 =	vor.u32 v1, v16;
	[tilespmem:s25+$0xC0] =	vst v23  }
0x5d: {  	v23 =	vor.u32 v1, v14;
	[tilespmem:s25+$0xFFFFFFC0] =	vst v24;
	v24 =	vld.idx.msk [tilespmem:v29+s14+$0x0], $0xffff  }
0x5e: {  	v29 =	vor.u32 v1, v31;
	v19 =	vld.idx.msk [tilespmem:v19+s14+$0x0], $0xffff;
	[tilespmem:s25+$0x40] =	vst v17  }
0x5f: {  	v17 =	vld.idx.msk [tilespmem:v27+s14+$0x0], $0xffff;
	v27 =	vor.u32 v6, v13;
	[tilespmem:s26+$0xFFFFFF70] =	vst v26;
	s26 =	smov.u32 s25;
	s25 =	sadd.s32 $0x200, s25  }
0x60: {  	v26 =	vor.u32 v1, v8;
	v25 =	vld.idx.msk [tilespmem:v25+s14+$0x0], $0xffff;
	[tilespmem:s25+$0x80] =	vst v18  }
0x61: {  	[tilespmem:s25+$0xFFFFFF80] =	vst v20;
	v18 =	vld.idx.msk [tilespmem:v28+s14+$0x0], $0xffff;
	v20 =	vor.u32 v5, v12  }
0x62: {  	v23 =	vld.idx.msk [tilespmem:v23+s14+$0x0], $0xffff;
	[tilespmem:s25+$0x0] =	vst v21;
	v21 =	vor.u32 v6, v9  }
0x63: {  	v28 =	vld.idx.msk [tilespmem:v29+s14+$0x0], $0xffff;
	v29 =	vor.u32 v2, v16;
	[tilespmem:s26+$0xD0] =	vst v24  }
0x64: {  	v24 =	vor.u32 v2, v14;
	[tilespmem:s25+$0xFFFFFF00] =	vst v15;
	v27 =	vld.idx.msk [tilespmem:v27+s14+$0x0], $0xffff  }
0x65: {  	v30 =	vor.u32 v2, v31;
	v26 =	vld.idx.msk [tilespmem:v26+s14+$0x0], $0xffff;
	[tilespmem:s26+$0xFFFFFF40] =	vst v22  }
0x66: {  	v15 =	vmov v25;
	v22 =	vld.idx.msk [tilespmem:v20+s14+$0x0], $0xffff;
	[tilespmem:s26+$0xFFFFFFD0] =	vst v19;
	v19 =	vor.u32 v7, v13;
	v13 =	vmov v16  }
0x67: {  	v16 =	vor.u32 v2, v8;
	[tilespmem:s25+$0x90] =	vst v18;
	v18 =	vld.idx.msk [tilespmem:v21+s14+$0x0], $0xffff  }
0x68: {  	s30 =	sadd.s32 $0x1, s29;
	v21 =	vor.u32 v6, v10;
	[tilespmem:s25+$0xFFFFFF90] =	vst v23;
	v23 =	vld.idx.msk [tilespmem:v29+s14+$0x0], $0xffff  }
0x69: {  	v20 =	vmov s30;
	v25 =	vld.idx.msk [tilespmem:v24+s14+$0x0], $0xffff;
	[tilespmem:s25+$0x10] =	vst v28;
	v28 =	vor.u32 v6, v12  }
0x6a: {  	v20 =	vand.u32 $0x7D, v20;
	v32 =	vor.u32 v3, v13;
	v30 =	vld.idx.msk [tilespmem:v30+s14+$0x0], $0xffff;
	[tilespmem:s26+$0xE0] =	vst v27  }
0x6b: {  	v34 =	vor.u32 v3, v14;
	v33 =	vbroadcast v20, $0x0;
	[tilespmem:s25+$0xFFFFFF10] =	vst v26;
	v26 =	vld.idx.msk [tilespmem:v19+s14+$0x0], $0xffff  }
.Ltmp0:
0x6c: {  	v29 =	vor.u32 v3, v31;
	v24 =	vld.idx.msk [tilespmem:v16+s14+$0x0], $0xffff;
	[tilespmem:s26+$0x50] =	vst v17;
	(pc) =	sbr.rel @p0 .LBB2_3-.Ltmp0, $4  }
0x6d: {  	v20 =	vor.u32 v0, v33;
	[tilespmem:s26+$0xFFFFFF50] =	vst v22;
	v21 =	vld.idx.msk [tilespmem:v21+s14+$0x0], $0xffff  }
0x6e: {  	v27 =	vor.u32 v3, v8;
	[tilespmem:s25+$0xA0] =	vst v23;
	v19 =	vld.idx.msk [tilespmem:v28+s14+$0x0], $0xffff  }
0x6f: {  	[tilespmem:s25+$0xFFFFFFA0] =	vst v25;
	v22 =	vld.idx.msk [tilespmem:v32+s14+$0x0], $0xffff;
	v25 =	vor.u32 v7, v9;
	v9 =	vmov v14;
	v14 =	vmov v33  }
0x70: {  	s29 =	sadd.s32 $0x4, s29;
	s30 =	sadd.s32 $0x3, s28;
	v28 =	vor.u32 v7, v10;
	v10 =	vmov v31;
	v23 =	vld.idx.msk [tilespmem:v34+s14+$0x0], $0xffff;
	[tilespmem:s25+$0x20] =	vst v30  }
0x71: {  	_ =	sdelay $0x2  }
0x72: {  	v16 =	vmov s30;
	[tilespmem:s26+$0xF0] =	vst v26  }
0x73: {  	v26 =	vld.idx.msk [tilespmem:v29+s14+$0x0], $0xffff;
	v29 =	vor.u32 v4, v13;
	s28 =	sadd.s32 $0x2, s28;
	[tilespmem:s25+$0xFFFFFF20] =	vst v24;
	v16 =	vand.u32 $0x7F, v16  }
0x74: {  	v24 =	vor.u32 v4, v9;
	[tilespmem:s26+$0xFFFFFFE0] =	vst v18;
	v30 =	vmov s28;
	v17 =	vbroadcast v16, $0x0  }
0x75: {  	v18 =	vld.idx.msk [tilespmem:v27+s14+$0x0], $0xffff;
	v27 =	vor.u32 v4, v10;
	[tilespmem:s26+$0x60] =	vst v21;
	v16 =	vand.u32 $0x7E, v30  }
0x76: {  	v21 =	vld.idx.msk [tilespmem:v25+s14+$0x0], $0xffff;
	[tilespmem:s26+$0xFFFFFF60] =	vst v19;
	v16 =	vbroadcast v16, $0x0;
	v25 =	vor.u32 v0, v17  }
0x77: {  	[tilespmem:s25+$0xB0] =	vst v22;
	v22 =	vld.idx.msk [tilespmem:v28+s14+$0x0], $0xffff  }
0x78: {  	[tilespmem:s25+$0xFFFFFFB0] =	vst v23;
	v23 =	vld.idx.msk [tilespmem:v29+s14+$0x0], $0xffff;
	v28 =	vor.u32 v0, v16  }
0x79: {  	[tilespmem:s25+$0x30] =	vst v26;
	v24 =	vld.idx.msk [tilespmem:v24+s14+$0x0], $0xffff  }
0x7a: {  	v12 =	vor.u32 v7, v12;
	v19 =	vld.idx.msk [tilespmem:v27+s14+$0x0], $0xffff;
	[tilespmem:s25+$0xFFFFFF30] =	vst v18  }
0x7b: {  	v18 =	vor.u32 v5, v13;
	[tilespmem:s26+$0xFFFFFFF0] =	vst v21;
	v25 =	vld.idx.msk [tilespmem:v25+s14+$0x0], $0xffff  }
0x7c: {  	v20 =	vld.idx.msk [tilespmem:v20+s14+$0x0], $0xffff;
	v21 =	vor.u32 v1, v17;
	[tilespmem:s26+$0x70] =	vst v22  }
0x7d: {  	v22 =	vld.idx.msk [tilespmem:v28+s14+$0x0], $0xffff;
	[tilespmem:s25+$0xC0] =	vst v23;
	v23 =	vor.u32 v1, v14  }
0x7e: {  	[tilespmem:s25+$0xFFFFFFC0] =	vst v24;
	v24 =	vor.u32 v1, v16  }
0x7f: {  	s28 =	sadd.s32 $0x200, s25;
	v12 =	vld.idx.msk [tilespmem:v12+s14+$0x0], $0xffff;
	[tilespmem:s25+$0x40] =	vst v19;
	v19 =	vor.u32 v1, v11  }
0x80: {  	v26 =	vor.u32 v4, v8;
	v18 =	vld.idx.msk [tilespmem:v18+s14+$0x0], $0xffff;
	[tilespmem:s28+$0x80] =	vst v25  }
0x81: {  	[tilespmem:s28+$0xFFFFFF80] =	vst v20;
	v25 =	vor.u32 v5, v9;
	v20 =	vld.idx.msk [tilespmem:v21+s14+$0x0], $0xffff  }
0x82: {  	v21 =	vld.idx.msk [tilespmem:v23+s14+$0x0], $0xffff;
	[tilespmem:s28+$0x0] =	vst v22;
	v22 =	vor.u32 v2, v17  }
0x83: {  	[tilespmem:s28+$0xFFFFFF00] =	vst v15;
	v15 =	vor.u32 v2, v14;
	v23 =	vld.idx.msk [tilespmem:v24+s14+$0x0], $0xffff  }
0x84: {  	[tilespmem:s26+$0xFFFFFF70] =	vst v12;
	v12 =	vld.idx.msk [tilespmem:v19+s14+$0x0], $0xffff;
	v19 =	vor.u32 v2, v16  }
0x85: {  	v24 =	vld.idx.msk [tilespmem:v26+s14+$0x0], $0xffff;
	[tilespmem:s25+$0xD0] =	vst v18;
	v18 =	vor.u32 v2, v11  }
0x86: {  	v26 =	vor.u32 v6, v13;
	v25 =	vld.idx.msk [tilespmem:v25+s14+$0x0], $0xffff;
	[tilespmem:s28+$0x90] =	vst v20  }
0x87: {  	v20 =	vor.u32 v5, v10;
	[tilespmem:s28+$0xFFFFFF90] =	vst v21;
	v21 =	vld.idx.msk [tilespmem:v22+s14+$0x0], $0xffff  }
0x88: {  	v15 =	vld.idx.msk [tilespmem:v15+s14+$0x0], $0xffff;
	[tilespmem:s28+$0x10] =	vst v23;
	v22 =	vor.u32 v3, v17  }
0x89: {  	[tilespmem:s28+$0xFFFFFF10] =	vst v12;
	v12 =	vor.u32 v3, v14;
	v19 =	vld.idx.msk [tilespmem:v19+s14+$0x0], $0xffff  }
0x8a: {  	[tilespmem:s25+$0xFFFFFF40] =	vst v24;
	v23 =	vor.u32 v3, v16;
	v18 =	vld.idx.msk [tilespmem:v18+s14+$0x0], $0xffff  }
0x8b: {  	v24 =	vld.idx.msk [tilespmem:v26+s14+$0x0], $0xffff;
	[tilespmem:s25+$0xFFFFFFD0] =	vst v25;
	v25 =	vor.u32 v3, v11  }
0x8c: {  	v26 =	vor.u32 v5, v8;
	v20 =	vld.idx.msk [tilespmem:v20+s14+$0x0], $0xffff;
	[tilespmem:s28+$0xA0] =	vst v21  }
0x8d: {  	v13 =	vor.u32 v7, v13;
	[tilespmem:s28+$0xFFFFFFA0] =	vst v15;
	v15 =	vld.idx.msk [tilespmem:v22+s14+$0x0], $0xffff  }
0x8e: {  	v12 =	vld.idx.msk [tilespmem:v12+s14+$0x0], $0xffff;
	[tilespmem:s28+$0x20] =	vst v19;
	v19 =	vor.u32 v4, v17  }
0x8f: {  	[tilespmem:s28+$0xFFFFFF20] =	vst v18;
	v18 =	vor.u32 v4, v14;
	v21 =	vld.idx.msk [tilespmem:v23+s14+$0x0], $0xffff  }
0x90: {  	[tilespmem:s25+$0xE0] =	vst v24;
	v23 =	vor.u32 v4, v16;
	v22 =	vld.idx.msk [tilespmem:v25+s14+$0x0], $0xffff  }
0x91: {  	v24 =	vld.idx.msk [tilespmem:v26+s14+$0x0], $0xffff;
	[tilespmem:s25+$0x50] =	vst v20;
	v20 =	vor.u32 v4, v11  }
0x92: {  	v13 =	vld.idx.msk [tilespmem:v13+s14+$0x0], $0xffff;
	v25 =	vor.u32 v6, v9;
	[tilespmem:s28+$0xB0] =	vst v15  }
0x93: {  	v15 =	vor.u32 v6, v10;
	[tilespmem:s28+$0xFFFFFFB0] =	vst v12;
	v12 =	vld.idx.msk [tilespmem:v19+s14+$0x0], $0xffff  }
0x94: {  	v18 =	vld.idx.msk [tilespmem:v18+s14+$0x0], $0xffff;
	[tilespmem:s28+$0x30] =	vst v21;
	v19 =	vor.u32 v5, v17  }
0x95: {  	v21 =	vld.idx.msk [tilespmem:v23+s14+$0x0], $0xffff;
	[tilespmem:s28+$0xFFFFFF30] =	vst v22;
	v22 =	vor.u32 v5, v14  }
0x96: {  	[tilespmem:s25+$0xFFFFFF50] =	vst v24;
	v23 =	vor.u32 v5, v16;
	v20 =	vld.idx.msk [tilespmem:v20+s14+$0x0], $0xffff  }
0x97: {  	[tilespmem:s25+$0xF0] =	vst v13;
	v13 =	vor.u32 v5, v11;
	v24 =	vld.idx.msk [tilespmem:v25+s14+$0x0], $0xffff  }
0x98: {  	v25 =	vor.u32 v6, v8;
	v15 =	vld.idx.msk [tilespmem:v15+s14+$0x0], $0xffff;
	[tilespmem:s28+$0xC0] =	vst v12  }
0x99: {  	v9 =	vor.u32 v7, v9;
	[tilespmem:s28+$0xFFFFFFC0] =	vst v18;
	v12 =	vld.idx.msk [tilespmem:v19+s14+$0x0], $0xffff  }
0x9a: {  	v18 =	vld.idx.msk [tilespmem:v22+s14+$0x0], $0xffff;
	[tilespmem:s28+$0x40] =	vst v21;
	v19 =	vor.u32 v6, v17  }
0x9b: {  	v22 =	vor.u32 v6, v14;
	v21 =	vld.idx.msk [tilespmem:v23+s14+$0x0], $0xffff;
	[tilespmem:s28+$0xFFFFFF40] =	vst v20  }
0x9c: {  	[tilespmem:s25+$0xFFFFFFE0] =	vst v24;
	v20 =	vor.u32 v6, v16;
	v13 =	vld.idx.msk [tilespmem:v13+s14+$0x0], $0xffff  }
0x9d: {  	v23 =	vld.idx.msk [tilespmem:v25+s14+$0x0], $0xffff;
	[tilespmem:s25+$0x60] =	vst v15;
	v15 =	vor.u32 v6, v11  }
0x9e: {  	v10 =	vor.u32 v7, v10;
	v9 =	vld.idx.msk [tilespmem:v9+s14+$0x0], $0xffff;
	[tilespmem:s28+$0xD0] =	vst v12  }
0x9f: {  	v8 =	vor.u32 v7, v8;
	[tilespmem:s28+$0xFFFFFFD0] =	vst v18;
	v12 =	vld.idx.msk [tilespmem:v19+s14+$0x0], $0xffff  }
0xa0: {  	v17 =	vor.u32 v7, v17;
	v18 =	vld.idx.msk [tilespmem:v22+s14+$0x0], $0xffff;
	[tilespmem:s28+$0x50] =	vst v21  }
0xa1: {  	v14 =	vor.u32 v7, v14;
	[tilespmem:s28+$0xFFFFFF50] =	vst v13;
	v13 =	vld.idx.msk [tilespmem:v20+s14+$0x0], $0xffff  }
0xa2: {  	v16 =	vor.u32 v7, v16;
	[tilespmem:s25+$0xFFFFFF60] =	vst v23;
	v15 =	vld.idx.msk [tilespmem:v15+s14+$0x0], $0xffff  }
0xa3: {  	v10 =	vld.idx.msk [tilespmem:v10+s14+$0x0], $0xffff;
	[tilespmem:s25+$0xFFFFFFF0] =	vst v9;
	v9 =	vor.u32 v7, v11  }
0xa4: {  	v8 =	vld.idx.msk [tilespmem:v8+s14+$0x0], $0xffff;
	[tilespmem:s28+$0xE0] =	vst v12  }
0xa5: {  	[tilespmem:s28+$0xFFFFFFE0] =	vst v18;
	v11 =	vld.idx.msk [tilespmem:v17+s14+$0x0], $0xffff  }
0xa6: {  	v12 =	vld.idx.msk [tilespmem:v14+s14+$0x0], $0xffff;
	[tilespmem:s28+$0x60] =	vst v13  }
0xa7: {  	v13 =	vld.idx.msk [tilespmem:v16+s14+$0x0], $0xffff;
	[tilespmem:s28+$0xFFFFFF60] =	vst v15  }
0xa8: {  	[tilespmem:s25+$0x70] =	vst v10;
	v9 =	vld.idx.msk [tilespmem:v9+s14+$0x0], $0xffff  }
0xa9: {  	[tilespmem:s25+$0xFFFFFF70] =	vst v8  }
0xaa: {  	s31 =	sshll.u32 s23, $0x13;
	[tilespmem:s28+$0xF0] =	vst v11  }
0xab: {  	s25 =	sor.u32 s4, s31;
	[tilespmem:s28+$0xFFFFFFF0] =	vst v12  }
0xac: {  	s25 =	sshrl.u32 s25, $0x3;
	[tilespmem:s28+$0x70] =	vst v13  }
0xad: {  	p0 =	seq.s32 s23, $0x18;
	s25 =	sadd.s32 s2, s25;
	[tilespmem:s28+$0xFFFFFF70] =	vst v9  }
0xae: {  	[hbm4b:s25+s9] =	stream.strided.scatter [tilespmem:s17], [sflag:$0x3], $0x2000, s10, s9, $0x38;
	[tilespmem:$0xDC00] =	vst v63  }
0xaf: {  	s26 =	simm.s32 @!p0 $0x80;
	s25 =	sshll.u32 @!p0 s23, $0x8;
	_ =	swait.ge [sflag:s18], $0x4000  }
0xb0: {  	s31 =	simm.s32 $0x1;
	s25 =	sand.u32 @!p0 $0x3FFFFF00, s25;
	[sflag:s18] =	ssyncset.done $0x0  }
0xb1: {  	s28 =	simm.s32 @!p0 $0x1C00;
	s25 =	sadd.s32 @!p0 $0x100, s25;
	[sflag:s18] =	ssyncadd.s32 $0xFFFFC000  }
0xb2: {  	[tilespmem:s28], [sflag:$0x1] =	stream.indirect.gather @!p0 [hbm4b:s6+s26], $0x80, s25, s26, $0xb8;
	[tilespmem:$0xDC00] =	vst v63  }
0xb3: {  	v9 =	vmov s31;
	s26 =	simm.s32 $0x3  }
0xb4: {  	s31 =	simm.s32 $0x2;
	v9 =	vand.u32 $0x7D, v9;
	v8 =	vmov s26  }
0xb5: {  	v10 =	vmov s31;
	v17 =	vbroadcast v9, $0x0;
	s26 =	simm.s32 $0x0;
	v8 =	vand.u32 $0x7F, v8  }
0xb6: {  	v9 =	vmov s26;
	v14 =	vbroadcast v8, $0x0;
	v8 =	vand.u32 $0x7E, v10  }
0xb7: {  	p1 =	seq.s32 @!p0 s23, $0x0;
	v9 =	vand.u32 $0x7C, v9;
	v10 =	vor.u32 v0, v17;
	v16 =	vbroadcast v8, $0x0  }
0xb8: {  	p0 =	por p0, !p1;
	v13 =	vbroadcast v9, $0x0;
	v8 =	vor.u32 v0, v14  }
0xb9: {  	_ =	swait.ge @p0 [sflag:s21], $0x2000;
	v9 =	vor.u32 v0, v16  }
0xba: {  	[sflag:s21] =	ssyncset.done @p0 $0x0;
	v11 =	vor.u32 v0, v13  }
0xbb: {  	[sflag:s21] =	ssyncadd.s32 @p0 $0xFFFFE000  }
0xbc: {  	v10 =	vld.idx.msk [tilespmem:v10+s16+$0x0], $0xffff  }
0xbd: {  	v15 =	vor.u32 v1, v17;
	v8 =	vld.idx.msk [tilespmem:v8+s16+$0x0], $0xffff  }
0xbe: {  	v12 =	vor.u32 v1, v14;
	v9 =	vld.idx.msk [tilespmem:v9+s16+$0x0], $0xffff  }
0xbf: {  	v18 =	vor.u32 v1, v16;
	v11 =	vld.idx.msk [tilespmem:v11+s16+$0x0], $0xffff  }
0xc0: {  	s26 =	simm.s32 $0xBD00;
	v19 =	vor.u32 v1, v13  }
0xc1: {  	[tilespmem:s26+$0xFFFFFF80] =	vst v10  }
0xc2: {  	v10 =	vld.idx.msk [tilespmem:v15+s16+$0x0], $0xffff;
	[tilespmem:s26+$0x80] =	vst v8  }
0xc3: {  	v15 =	vor.u32 v2, v17;
	v8 =	vld.idx.msk [tilespmem:v12+s16+$0x0], $0xffff;
	[tilespmem:s26+$0x0] =	vst v9  }
0xc4: {  	v9 =	vor.u32 v2, v14;
	[tilespmem:s26+$0xFFFFFF00] =	vst v11;
	v12 =	vld.idx.msk [tilespmem:v18+s16+$0x0], $0xffff  }
0xc5: {  	v11 =	vor.u32 v2, v16;
	v18 =	vld.idx.msk [tilespmem:v19+s16+$0x0], $0xffff  }
0xc6: {  	v19 =	vor.u32 v2, v13  }
0xc7: {  	[tilespmem:s26+$0xFFFFFF90] =	vst v10  }
0xc8: {  	s31 =	simm.s32 $0x4;
	v15 =	vld.idx.msk [tilespmem:v15+s16+$0x0], $0xffff;
	[tilespmem:s26+$0x90] =	vst v8  }
0xc9: {  	v20 =	vor.u32 v3, v17;
	v8 =	vmov s31;
	s31 =	simm.s32 $0x5;
	v10 =	vld.idx.msk [tilespmem:v9+s16+$0x0], $0xffff;
	[tilespmem:s26+$0x10] =	vst v12  }
0xca: {  	v8 =	vand.u32 $0x7C, v8;
	v12 =	vor.u32 v3, v14;
	v9 =	vmov s31;
	[tilespmem:s26+$0xFFFFFF10] =	vst v18;
	v11 =	vld.idx.msk [tilespmem:v11+s16+$0x0], $0xffff  }
0xcb: {  	v18 =	vor.u32 v3, v16;
	v8 =	vbroadcast v8, $0x0;
	v9 =	vand.u32 $0x7D, v9;
	v19 =	vld.idx.msk [tilespmem:v19+s16+$0x0], $0xffff  }
0xcc: {  	v22 =	vor.u32 v3, v13;
	v9 =	vbroadcast v9, $0x0  }
0xcd: {  	s31 =	simm.s32 $0x7;
	v21 =	vor.u32 v0, v8;
	[tilespmem:s26+$0xFFFFFFA0] =	vst v15  }
0xce: {  	v23 =	vor.u32 v0, v9;
	v20 =	vld.idx.msk [tilespmem:v20+s16+$0x0], $0xffff;
	[tilespmem:s26+$0xA0] =	vst v10;
	v10 =	vmov s31;
	s31 =	simm.s32 $0x6  }
0xcf: {  	v24 =	vor.u32 v4, v17;
	v15 =	vld.idx.msk [tilespmem:v12+s16+$0x0], $0xffff;
	[tilespmem:s26+$0x20] =	vst v11;
	v10 =	vand.u32 $0x7F, v10;
	v25 =	vmov s31  }
0xd0: {  	v11 =	vor.u32 v4, v14;
	[tilespmem:s26+$0xFFFFFF20] =	vst v19;
	v18 =	vld.idx.msk [tilespmem:v18+s16+$0x0], $0xffff;
	v12 =	vbroadcast v10, $0x0;
	v10 =	vand.u32 $0x7E, v25  }
0xd1: {  	v19 =	vor.u32 v4, v16;
	v22 =	vld.idx.msk [tilespmem:v22+s16+$0x0], $0xffff;
	v10 =	vbroadcast v10, $0x0  }
0xd2: {  	v21 =	vld.idx.msk [tilespmem:v21+s16+$0x0], $0xffff;
	v25 =	vor.u32 v0, v12  }
0xd3: {  	v23 =	vld.idx.msk [tilespmem:v23+s16+$0x0], $0xffff;
	[tilespmem:s26+$0xFFFFFFB0] =	vst v20;
	v26 =	vor.u32 v0, v10  }
0xd4: {  	s28 =	simm.s32 $0x8;
	v24 =	vld.idx.msk [tilespmem:v24+s16+$0x0], $0xffff;
	[tilespmem:s26+$0xB0] =	vst v15;
	v15 =	vor.u32 v4, v13  }
0xd5: {  	v27 =	vor.u32 v5, v17;
	v20 =	vld.idx.msk [tilespmem:v11+s16+$0x0], $0xffff;
	v11 =	vmov s28;
	[tilespmem:s26+$0x30] =	vst v18  }
0xd6: {  	v18 =	vor.u32 v5, v14;
	v11 =	vand.u32 $0x7C, v11;
	v19 =	vld.idx.msk [tilespmem:v19+s16+$0x0], $0xffff  }
0xd7: {  	[tilespmem:s26+$0xFFFFFF30] =	vst v22;
	v11 =	vbroadcast v11, $0x0;
	v22 =	vld.idx.msk [tilespmem:v25+s16+$0x0], $0xffff;
	v25 =	vor.u32 v5, v16  }
0xd8: {  	v30 =	vor.u32 v1, v12;
	v26 =	vld.idx.msk [tilespmem:v26+s16+$0x0], $0xffff  }
0xd9: {  	[tilespmem:s26+$0xFFFFFFC0] =	vst v24;
	v28 =	vor.u32 v0, v11;
	v29 =	vld.idx.msk [tilespmem:v15+s16+$0x0], $0xffff  }
0xda: {  	v24 =	vor.u32 v1, v10;
	v27 =	vld.idx.msk [tilespmem:v27+s16+$0x0], $0xffff;
	[tilespmem:s26+$0xC0] =	vst v20  }
0xdb: {  	s25 =	simm.s32 $0xBF00;
	v20 =	vor.u32 v1, v9;
	v18 =	vld.idx.msk [tilespmem:v18+s16+$0x0], $0xffff;
	[tilespmem:s26+$0x40] =	vst v19  }
0xdc: {  	v19 =	vld.idx.msk [tilespmem:v25+s16+$0x0], $0xffff;
	v25 =	vor.u32 v6, v14;
	[tilespmem:s25+$0x80] =	vst v22  }
0xdd: {  	[tilespmem:s25+$0xFFFFFF80] =	vst v23;
	v23 =	vor.u32 v5, v13;
	v22 =	vld.idx.msk [tilespmem:v30+s16+$0x0], $0xffff  }
0xde: {  	[tilespmem:s25+$0x0] =	vst v26;
	v15 =	vld.idx.msk [tilespmem:v28+s16+$0x0], $0xffff;
	v28 =	vor.u32 v1, v8  }
0xdf: {  	[tilespmem:s25+$0xFFFFFF00] =	vst v21;
	v26 =	vor.u32 v6, v17;
	v24 =	vld.idx.msk [tilespmem:v24+s16+$0x0], $0xffff  }
0xe0: {  	v30 =	vor.u32 v2, v12;
	v20 =	vld.idx.msk [tilespmem:v20+s16+$0x0], $0xffff;
	[tilespmem:s26+$0xD0] =	vst v18  }
0xe1: {  	v21 =	vor.u32 v2, v9;
	[tilespmem:s26+$0xFFFFFF40] =	vst v29;
	v25 =	vld.idx.msk [tilespmem:v25+s16+$0x0], $0xffff  }
0xe2: {  	v14 =	vor.u32 v7, v14;
	[tilespmem:s26+$0xFFFFFFD0] =	vst v27;
	v23 =	vld.idx.msk [tilespmem:v23+s16+$0x0], $0xffff  }
0xe3: {  	v31 =	vor.u32 v2, v10;
	[tilespmem:s25+$0x90] =	vst v22;
	v28 =	vld.idx.msk [tilespmem:v28+s16+$0x0], $0xffff  }
0xe4: {  	v32 =	vor.u32 v6, v13;
	v18 =	vld.idx.msk [tilespmem:v26+s16+$0x0], $0xffff;
	[tilespmem:s25+$0x10] =	vst v24  }
0xe5: {  	s29 =	simm.s32 $0x9;
	v27 =	vor.u32 v2, v8;
	[tilespmem:s25+$0xFFFFFF90] =	vst v20;
	v20 =	vld.idx.msk [tilespmem:v30+s16+$0x0], $0xffff  }
0xe6: {  	v22 =	vor.u32 v6, v16;
	v30 =	vld.idx.msk [tilespmem:v21+s16+$0x0], $0xffff;
	v21 =	vmov s29;
	[tilespmem:s26+$0xE0] =	vst v25  }
0xe7: {  	v33 =	vor.u32 v3, v12;
	[tilespmem:s26+$0xFFFFFF50] =	vst v23;
	v26 =	vld.idx.msk [tilespmem:v14+s16+$0x0], $0xffff;
	v14 =	vand.u32 $0x7D, v21  }
0xe8: {  	v31 =	vld.idx.msk [tilespmem:v31+s16+$0x0], $0xffff;
	[tilespmem:s25+$0xFFFFFF10] =	vst v28;
	v28 =	vor.u32 v3, v9;
	v14 =	vbroadcast v14, $0x0  }
0xe9: {  	v29 =	vor.u32 v3, v10;
	[tilespmem:s26+$0x50] =	vst v19;
	v19 =	vld.idx.msk [tilespmem:v32+s16+$0x0], $0xffff  }
0xea: {  	v24 =	vld.idx.msk [tilespmem:v27+s16+$0x0], $0xffff;
	[tilespmem:s25+$0xA0] =	vst v20;
	v20 =	vor.u32 v0, v14  }
0xeb: {  	v21 =	vld.idx.msk [tilespmem:v22+s16+$0x0], $0xffff;
	v27 =	vor.u32 v3, v8  }
0xec: {  	v25 =	vor.u32 v7, v17;
	[tilespmem:s25+$0xFFFFFFA0] =	vst v30;
	v22 =	vld.idx.msk [tilespmem:v33+s16+$0x0], $0xffff  }
0xed: {  	s30 =	simm.s32 $0xB;
	s29 =	simm.s32 $0xC;
	[tilespmem:s25+$0x20] =	vst v31;
	v23 =	vld.idx.msk [tilespmem:v28+s16+$0x0], $0xffff;
	v28 =	vor.u32 v7, v16  }
.LBB2_5:
0xee: {  	p0 =	slt.u32 s29, $0x3C;
	v16 =	vmov s30;
	v17 =	vld.idx.msk [tilespmem:v29+s16+$0x0], $0xffff;
	v29 =	vor.u32 v4, v12;
	[tilespmem:s26+$0xF0] =	vst v26  }
0xef: {  	s30 =	sadd.s32 $0x2, s28;
	s28 =	smov.u32 s29;
	v20 =	vld.idx.msk [tilespmem:v20+s16+$0x0], $0xffff;
	v16 =	vand.u32 $0x7F, v16;
	[tilespmem:s25+$0xFFFFFF20] =	vst v24;
	v24 =	vor.u32 v4, v9  }
0xf0: {  	v30 =	vor.u32 v4, v10;
	v26 =	vmov s30;
	v16 =	vbroadcast v16, $0x0;
	v27 =	vld.idx.msk [tilespmem:v27+s16+$0x0], $0xffff;
	[tilespmem:s26+$0xFFFFFFE0] =	vst v18  }
0xf1: {  	v18 =	vand.u32 $0x7E, v26;
	v26 =	vor.u32 v7, v13;
	v13 =	vmovc v8;
	v8 =	vmov v11;
	v25 =	vld.idx.msk [tilespmem:v25+s16+$0x0], $0xffff;
	[tilespmem:s26+$0x60] =	vst v21  }
0xf2: {  	v31 =	vbroadcast v18, $0x0;
	v18 =	vor.u32 v0, v16;
	[tilespmem:s25+$0xB0] =	vst v22;
	v21 =	vld.idx.msk [tilespmem:v28+s16+$0x0], $0xffff  }
0xf3: {  	v22 =	vor.u32 v4, v13;
	[tilespmem:s25+$0xFFFFFFB0] =	vst v23;
	v23 =	vld.idx.msk [tilespmem:v29+s16+$0x0], $0xffff  }
0xf4: {  	v11 =	vmov s29;
	v28 =	vor.u32 v0, v31;
	v24 =	vld.idx.msk [tilespmem:v24+s16+$0x0], $0xffff;
	[tilespmem:s25+$0x30] =	vst v17  }
0xf5: {  	v11 =	vand.u32 $0x7C, v11;
	v29 =	vor.u32 v5, v12;
	v17 =	vld.idx.msk [tilespmem:v30+s16+$0x0], $0xffff;
	[tilespmem:s26+$0xFFFFFF60] =	vst v19  }
0xf6: {  	v11 =	vbroadcast v11, $0x0;
	v19 =	vor.u32 v5, v9;
	[tilespmem:s25+$0xFFFFFF30] =	vst v27;
	v26 =	vld.idx.msk [tilespmem:v26+s16+$0x0], $0xffff  }
0xf7: {  	v27 =	vor.u32 v5, v10;
	v18 =	vld.idx.msk [tilespmem:v18+s16+$0x0], $0xffff;
	[tilespmem:s26+$0xFFFFFFF0] =	vst v25  }
0xf8: {  	v25 =	vor.u32 v0, v11;
	v22 =	vld.idx.msk [tilespmem:v22+s16+$0x0], $0xffff;
	[tilespmem:s26+$0x70] =	vst v21  }
0xf9: {  	v21 =	vld.idx.msk [tilespmem:v28+s16+$0x0], $0xffff;
	v28 =	vor.u32 v1, v16;
	[tilespmem:s25+$0xC0] =	vst v23  }
0xfa: {  	v23 =	vor.u32 v1, v14;
	[tilespmem:s25+$0xFFFFFFC0] =	vst v24;
	v24 =	vld.idx.msk [tilespmem:v29+s16+$0x0], $0xffff  }
0xfb: {  	v29 =	vor.u32 v1, v31;
	v19 =	vld.idx.msk [tilespmem:v19+s16+$0x0], $0xffff;
	[tilespmem:s25+$0x40] =	vst v17  }
0xfc: {  	v17 =	vld.idx.msk [tilespmem:v27+s16+$0x0], $0xffff;
	v27 =	vor.u32 v6, v12;
	[tilespmem:s26+$0xFFFFFF70] =	vst v26;
	s26 =	smov.u32 s25;
	s25 =	sadd.s32 $0x200, s25  }
0xfd: {  	v26 =	vor.u32 v1, v8;
	v25 =	vld.idx.msk [tilespmem:v25+s16+$0x0], $0xffff;
	[tilespmem:s25+$0x80] =	vst v18  }
0xfe: {  	[tilespmem:s25+$0xFFFFFF80] =	vst v20;
	v18 =	vld.idx.msk [tilespmem:v28+s16+$0x0], $0xffff;
	v20 =	vor.u32 v5, v13  }
0xff: {  	v23 =	vld.idx.msk [tilespmem:v23+s16+$0x0], $0xffff;
	[tilespmem:s25+$0x0] =	vst v21;
	v21 =	vor.u32 v6, v9  }
0x100: {  	v28 =	vld.idx.msk [tilespmem:v29+s16+$0x0], $0xffff;
	v29 =	vor.u32 v2, v16;
	[tilespmem:s26+$0xD0] =	vst v24  }
0x101: {  	v24 =	vor.u32 v2, v14;
	[tilespmem:s25+$0xFFFFFF00] =	vst v15;
	v27 =	vld.idx.msk [tilespmem:v27+s16+$0x0], $0xffff  }
0x102: {  	v30 =	vor.u32 v2, v31;
	v26 =	vld.idx.msk [tilespmem:v26+s16+$0x0], $0xffff;
	[tilespmem:s26+$0xFFFFFF40] =	vst v22  }
0x103: {  	v15 =	vmov v25;
	v22 =	vld.idx.msk [tilespmem:v20+s16+$0x0], $0xffff;
	[tilespmem:s26+$0xFFFFFFD0] =	vst v19;
	v19 =	vor.u32 v7, v12;
	v12 =	vmov v16  }
0x104: {  	v16 =	vor.u32 v2, v8;
	[tilespmem:s25+$0x90] =	vst v18;
	v18 =	vld.idx.msk [tilespmem:v21+s16+$0x0], $0xffff  }
0x105: {  	s30 =	sadd.s32 $0x1, s29;
	v21 =	vor.u32 v6, v10;
	[tilespmem:s25+$0xFFFFFF90] =	vst v23;
	v23 =	vld.idx.msk [tilespmem:v29+s16+$0x0], $0xffff  }
0x106: {  	v20 =	vmov s30;
	v25 =	vld.idx.msk [tilespmem:v24+s16+$0x0], $0xffff;
	[tilespmem:s25+$0x10] =	vst v28;
	v28 =	vor.u32 v6, v13  }
0x107: {  	v20 =	vand.u32 $0x7D, v20;
	v32 =	vor.u32 v3, v12;
	v30 =	vld.idx.msk [tilespmem:v30+s16+$0x0], $0xffff;
	[tilespmem:s26+$0xE0] =	vst v27  }
0x108: {  	v34 =	vor.u32 v3, v14;
	v33 =	vbroadcast v20, $0x0;
	[tilespmem:s25+$0xFFFFFF10] =	vst v26;
	v26 =	vld.idx.msk [tilespmem:v19+s16+$0x0], $0xffff  }
.Ltmp1:
0x109: {  	v29 =	vor.u32 v3, v31;
	v24 =	vld.idx.msk [tilespmem:v16+s16+$0x0], $0xffff;
	[tilespmem:s26+$0x50] =	vst v17;
	(pc) =	sbr.rel @p0 .LBB2_5-.Ltmp1, $4  }
0x10a: {  	v20 =	vor.u32 v0, v33;
	[tilespmem:s26+$0xFFFFFF50] =	vst v22;
	v21 =	vld.idx.msk [tilespmem:v21+s16+$0x0], $0xffff  }
0x10b: {  	v27 =	vor.u32 v3, v8;
	[tilespmem:s25+$0xA0] =	vst v23;
	v19 =	vld.idx.msk [tilespmem:v28+s16+$0x0], $0xffff  }
0x10c: {  	[tilespmem:s25+$0xFFFFFFA0] =	vst v25;
	v22 =	vld.idx.msk [tilespmem:v32+s16+$0x0], $0xffff;
	v25 =	vor.u32 v7, v9;
	v9 =	vmov v14;
	v14 =	vmov v33  }
0x10d: {  	s29 =	sadd.s32 $0x4, s29;
	s30 =	sadd.s32 $0x3, s28;
	v28 =	vor.u32 v7, v10;
	v10 =	vmov v31;
	v23 =	vld.idx.msk [tilespmem:v34+s16+$0x0], $0xffff;
	[tilespmem:s25+$0x20] =	vst v30  }
0x10e: {  	_ = 	snop  }
0x10f: {  	[tilespmem:s26+$0xF0] =	vst v26  }
0x110: {  	[tilespmem:s25+$0xFFFFFF20] =	vst v24  }
0x111: {  	v16 =	vmov s30;
	s28 =	sadd.s32 $0x2, s28;
	[tilespmem:s26+$0xFFFFFFE0] =	vst v18  }
0x112: {  	v63 =	vld.idx.msk [tilespmem:v29+s16+$0x0], $0xffff;
	v33 =	vor.u32 v4, v12;
	s31 =	sadd.s32 $0x200, s25;
	v16 =	vand.u32 $0x7F, v16;
	v30 =	vmov s28;
	[tilespmem:s26+$0x60] =	vst v21  }
0x113: {  	v34 =	vor.u32 v4, v9;
	v20 =	vld.idx.msk [tilespmem:v20+s16+$0x0], $0xffff;
	[tilespmem:s31+$0xFFFFFF00] =	vst v15;
	v17 =	vbroadcast v16, $0x0;
	v37 =	vand.u32 $0x7E, v30  }
0x114: {  	v13 =	vor.u32 v7, v13;
	v35 =	vld.idx.msk [tilespmem:v27+s16+$0x0], $0xffff;
	[tilespmem:s26+$0xFFFFFF60] =	vst v19;
	v16 =	vbroadcast v37, $0x0  }
0x115: {  	v38 =	vld.idx.msk [tilespmem:v25+s16+$0x0], $0xffff;
	[tilespmem:s25+$0xB0] =	vst v22;
	v39 =	vor.u32 v0, v17  }
0x116: {  	v40 =	vld.idx.msk [tilespmem:v28+s16+$0x0], $0xffff;
	[tilespmem:s25+$0xFFFFFFB0] =	vst v23;
	v42 =	vor.u32 v0, v16  }
0x117: {  	v49 =	vor.u32 v1, v11;
	v41 =	vld.idx.msk [tilespmem:v33+s16+$0x0], $0xffff;
	[tilespmem:s25+$0x30] =	vst v63  }
0x118: {  	v47 =	vor.u32 v1, v14;
	v24 =	vld.idx.msk [tilespmem:v34+s16+$0x0], $0xffff;
	[tilespmem:s31+$0xFFFFFF80] =	vst v20  }
0x119: {  	v36 =	vor.u32 v4, v10;
	v13 =	vld.idx.msk [tilespmem:v13+s16+$0x0], $0xffff;
	[tilespmem:s25+$0xFFFFFF30] =	vst v35  }
0x11a: {  	v44 =	vor.u32 v5, v12;
	[tilespmem:s26+$0xFFFFFFF0] =	vst v38;
	v25 =	vld.idx.msk [tilespmem:v39+s16+$0x0], $0xffff  }
0x11b: {  	v45 =	vor.u32 v1, v17;
	[tilespmem:s26+$0x70] =	vst v40;
	v46 =	vld.idx.msk [tilespmem:v42+s16+$0x0], $0xffff  }
0x11c: {  	v48 =	vor.u32 v1, v16;
	v57 =	vld.idx.msk [tilespmem:v49+s16+$0x0], $0xffff;
	[tilespmem:s25+$0xC0] =	vst v41  }
0x11d: {  	v50 =	vor.u32 v4, v8;
	v53 =	vld.idx.msk [tilespmem:v47+s16+$0x0], $0xffff;
	[tilespmem:s25+$0xFFFFFFC0] =	vst v24  }
0x11e: {  	v56 =	vor.u32 v2, v14;
	v43 =	vld.idx.msk [tilespmem:v36+s16+$0x0], $0xffff;
	[tilespmem:s26+$0xFFFFFF70] =	vst v13  }
0x11f: {  	v62 =	vor.u32 v5, v10;
	v18 =	vld.idx.msk [tilespmem:v44+s16+$0x0], $0xffff;
	[tilespmem:s31+$0x80] =	vst v25  }
0x120: {  	v60 =	vor.u32 v2, v11;
	v52 =	vld.idx.msk [tilespmem:v45+s16+$0x0], $0xffff;
	[tilespmem:s31+$0x0] =	vst v46  }
0x121: {  	v54 =	vor.u32 v2, v17;
	[tilespmem:s31+$0xFFFFFF10] =	vst v57;
	v55 =	vld.idx.msk [tilespmem:v48+s16+$0x0], $0xffff  }
0x122: {  	v58 =	vor.u32 v2, v16;
	v59 =	vld.idx.msk [tilespmem:v50+s16+$0x0], $0xffff;
	[tilespmem:s31+$0xFFFFFF90] =	vst v53  }
0x123: {  	v33 =	vor.u32 v5, v8;
	[tilespmem:s25+$0x40] =	vst v43;
	v15 =	vld.idx.msk [tilespmem:v56+s16+$0x0], $0xffff  }
0x124: {  	v61 =	vor.u32 v6, v12;
	v20 =	vld.idx.msk [tilespmem:v62+s16+$0x0], $0xffff;
	[tilespmem:s25+$0xD0] =	vst v18  }
0x125: {  	v29 =	vor.u32 v3, v14;
	v18 =	vld.idx.msk [tilespmem:v60+s16+$0x0], $0xffff;
	[tilespmem:s31+$0x90] =	vst v52  }
0x126: {  	v32 =	vor.u32 v3, v11;
	v63 =	vld.idx.msk [tilespmem:v54+s16+$0x0], $0xffff;
	[tilespmem:s31+$0x10] =	vst v55  }
0x127: {  	v28 =	vor.u32 v3, v17;
	[tilespmem:s25+$0xFFFFFF40] =	vst v59;
	v19 =	vld.idx.msk [tilespmem:v58+s16+$0x0], $0xffff  }
0x128: {  	v30 =	vor.u32 v3, v16;
	v41 =	vld.idx.msk [tilespmem:v33+s16+$0x0], $0xffff;
	[tilespmem:s31+$0xFFFFFFA0] =	vst v15  }
0x129: {  	v51 =	vor.u32 v5, v9;
	v31 =	vld.idx.msk [tilespmem:v61+s16+$0x0], $0xffff;
	[tilespmem:s25+$0x50] =	vst v20  }
0x12a: {  	v34 =	vor.u32 v7, v12;
	v13 =	vld.idx.msk [tilespmem:v29+s16+$0x0], $0xffff;
	[tilespmem:s31+$0xFFFFFF20] =	vst v18  }
0x12b: {  	v38 =	vor.u32 v4, v14;
	v39 =	vld.idx.msk [tilespmem:v32+s16+$0x0], $0xffff;
	[tilespmem:s31+$0xA0] =	vst v63  }
0x12c: {  	v42 =	vor.u32 v4, v11;
	v35 =	vld.idx.msk [tilespmem:v28+s16+$0x0], $0xffff;
	[tilespmem:s31+$0x20] =	vst v19  }
0x12d: {  	v36 =	vor.u32 v4, v17;
	[tilespmem:s25+$0xFFFFFF50] =	vst v41;
	v37 =	vld.idx.msk [tilespmem:v30+s16+$0x0], $0xffff  }
0x12e: {  	v40 =	vor.u32 v4, v16;
	v25 =	vld.idx.msk [tilespmem:v51+s16+$0x0], $0xffff;
	[tilespmem:s25+$0xE0] =	vst v31  }
0x12f: {  	v44 =	vor.u32 v6, v10;
	v12 =	vld.idx.msk [tilespmem:v34+s16+$0x0], $0xffff;
	[tilespmem:s31+$0xFFFFFFB0] =	vst v13  }
0x130: {  	v43 =	vor.u32 v6, v9;
	v18 =	vld.idx.msk [tilespmem:v38+s16+$0x0], $0xffff;
	[tilespmem:s31+$0xFFFFFF30] =	vst v39  }
0x131: {  	v47 =	vor.u32 v5, v14;
	v20 =	vld.idx.msk [tilespmem:v42+s16+$0x0], $0xffff;
	[tilespmem:s31+$0xB0] =	vst v35  }
0x132: {  	v50 =	vor.u32 v5, v11;
	v45 =	vld.idx.msk [tilespmem:v36+s16+$0x0], $0xffff;
	[tilespmem:s31+$0x30] =	vst v37  }
0x133: {  	v46 =	vor.u32 v5, v17;
	[tilespmem:s25+$0xFFFFFFD0] =	vst v25;
	v21 =	vld.idx.msk [tilespmem:v40+s16+$0x0], $0xffff  }
0x134: {  	v48 =	vor.u32 v5, v16;
	v15 =	vld.idx.msk [tilespmem:v44+s16+$0x0], $0xffff;
	[tilespmem:s25+$0xF0] =	vst v12  }
0x135: {  	v51 =	vor.u32 v6, v8;
	v49 =	vld.idx.msk [tilespmem:v43+s16+$0x0], $0xffff;
	[tilespmem:s31+$0xFFFFFFC0] =	vst v18  }
0x136: {  	v52 =	vor.u32 v7, v9;
	v18 =	vld.idx.msk [tilespmem:v47+s16+$0x0], $0xffff;
	[tilespmem:s31+$0xFFFFFF40] =	vst v20  }
0x137: {  	v54 =	vor.u32 v6, v14;
	v12 =	vld.idx.msk [tilespmem:v50+s16+$0x0], $0xffff;
	[tilespmem:s31+$0xC0] =	vst v45  }
0x138: {  	v57 =	vor.u32 v6, v11;
	v13 =	vld.idx.msk [tilespmem:v46+s16+$0x0], $0xffff;
	[tilespmem:s31+$0x40] =	vst v21  }
0x139: {  	v53 =	vor.u32 v6, v17;
	[tilespmem:s25+$0x60] =	vst v15;
	v21 =	vld.idx.msk [tilespmem:v48+s16+$0x0], $0xffff  }
0x13a: {  	v56 =	vld.idx.msk [tilespmem:v51+s16+$0x0], $0xffff;
	v55 =	vor.u32 v6, v16;
	[tilespmem:s25+$0xFFFFFFE0] =	vst v49  }
0x13b: {  	v8 =	vor.u32 v7, v8;
	v9 =	vld.idx.msk [tilespmem:v52+s16+$0x0], $0xffff;
	[tilespmem:s31+$0xFFFFFFD0] =	vst v18  }
0x13c: {  	v58 =	vor.u32 v7, v10;
	v18 =	vld.idx.msk [tilespmem:v54+s16+$0x0], $0xffff;
	[tilespmem:s31+$0xFFFFFF50] =	vst v12  }
0x13d: {  	v60 =	vor.u32 v7, v14;
	v15 =	vld.idx.msk [tilespmem:v57+s16+$0x0], $0xffff;
	[tilespmem:s31+$0xD0] =	vst v13  }
0x13e: {  	v61 =	vor.u32 v7, v11;
	v13 =	vld.idx.msk [tilespmem:v53+s16+$0x0], $0xffff;
	[tilespmem:s31+$0x50] =	vst v21  }
0x13f: {  	v17 =	vor.u32 v7, v17;
	[tilespmem:s25+$0xFFFFFF60] =	vst v56;
	v59 =	vld.idx.msk [tilespmem:v55+s16+$0x0], $0xffff  }
0x140: {  	v16 =	vor.u32 v7, v16;
	v8 =	vld.idx.msk [tilespmem:v8+s16+$0x0], $0xffff;
	[tilespmem:s25+$0xFFFFFFF0] =	vst v9  }
0x141: {  	v10 =	vld.idx.msk [tilespmem:v58+s16+$0x0], $0xffff;
	[tilespmem:s31+$0xFFFFFFE0] =	vst v18  }
0x142: {  	v63 =	vld.idx.msk [tilespmem:v60+s16+$0x0], $0xffff;
	[tilespmem:s31+$0xFFFFFF60] =	vst v15  }
0x143: {  	v9 =	vld.idx.msk [tilespmem:v61+s16+$0x0], $0xffff;
	[tilespmem:s31+$0xE0] =	vst v13  }
0x144: {  	v62 =	vld.idx.msk [tilespmem:v17+s16+$0x0], $0xffff;
	[tilespmem:s31+$0x60] =	vst v59  }
0x145: {  	s23 =	sadd.s32 $0x1, s23;
	[tilespmem:s25+$0xFFFFFF70] =	vst v8;
	v12 =	vld.idx.msk [tilespmem:v16+s16+$0x0], $0xffff  }
0x146: {  	p0 =	sne.s32 s23, $0x19;
	[tilespmem:s25+$0x70] =	vst v10  }
.Ltmp2:
0x147: {  	s24 =	sshll.u32 s24, $0x12;
	[tilespmem:s31+$0xFFFFFFF0] =	vst v63;
	(pc) =	sbr.rel @p0 .LBB2_2-.Ltmp2, $4  }
0x148: {  	s24 =	sor.u32 s4, s24;
	[tilespmem:s31+$0xFFFFFF70] =	vst v9  }
0x149: {  	s24 =	sshrl.u32 s24, $0x3;
	[tilespmem:s31+$0xF0] =	vst v62  }
0x14a: {  	s24 =	sadd.s32 s2, s24;
	[tilespmem:s31+$0x70] =	vst v12  }
0x14b: {  	[hbm4b:s24+s9] =	stream.strided.scatter [tilespmem:s19], [sflag:$0x4], $0x2000, s10, s9, $0x38;
	[tilespmem:$0xDC00] =	vst v63  }
0x14c: {  	s22 =	sadd.s32 $0x1, s22  }
0x14d: {  	_ =	swait.ge [sflag:s20], $0x2000;
	p0 =	sne.s32 s22, s8  }
.Ltmp3:
0x14e: {  	[sflag:s20] =	ssyncset.done $0x0;
	(pc) =	sbr.rel @p0 .LBB2_1-.Ltmp3, $4  }
0x14f: {  	[sflag:s20] =	ssyncadd.s32 $0xFFFFE000  }
0x150: {  	_ =	swait.ge [sflag:s21], $0x2000  }
0x151: {  	[sflag:s21] =	ssyncset.done $0x0  }
0x152: {  	[sflag:s21] =	ssyncadd.s32 $0xFFFFE000  }
0x153: {  	_ =	sfence.sel $0x180000  }
0x154: {  	[bflag:$0x0] =	sbarrier.arrive $0xFFFF  }
0x155: {  	p0 =	sne.s32 s0, $0x0;
	_ =	strace $0x90000047  }
0x156: {  	s0 =	sadd.s32 @!p0 $0x100000, s1;
	[bflag:$0x2] =	sbarrier.arrive $0xFFFF  }
0x157: {  	[sflag:s0] =	ssyncadd.tile.s32 @!p0 $0x1;
	_ =	shalt  }
.Lfunc_end2:
_tile_overlayer_lowered:
.L_overlay_start_2:
0x158: {  	(tag) =	ssettag $0x2  }
0x159: {  	s0 =	rddreg [dreg:$0x0];
	s2 =	stileid.u32  }
0x15a: {  	s1 =	rddreg [dreg:$0x1];
	p0 =	sne.s32 s2, $0x0  }
0x15b: {  	s3 =	rddreg [dreg:$0x2];
	[bflag:$0x3] =	sbarrier.arrive $0xFFFF;
	s2 =	simm.s32 @!p0 $0x1C05  }
0x15c: {  	[timem:s3], [sflag:s2] =	dma.local @!p0 [hbm:s0], s1  }
0x15d: {  	s0 =	simm.s32 @!p0 $0x5  }
0x15e: {  	_ =	swait.ge @!p0 [sflag:s0], s1  }
0x15f: {  	s1 =	ssub.s32 @!p0 $0x0, s1;
	[sflag:s0] =	ssyncset.done @!p0 $0x0  }
0x160: {  	[sflag:s0] =	ssyncadd.s32 @!p0 s1  }
0x161: {  	[bflag:$0x3] =	sbarrier.arrive $0xFFFF  }
0x162: {  	_ =	shalt  }

</sc_bundles>
